<compile_context>
chip_gen: v7x
topology: tpu7x:2x2x1
jax: 0.10.2.dev20260603
libtpu: 0.0.44.dev20260713+nightly
codegen_flags: <defaults>
</compile_context>

<pallas_src>
import dataclasses
import functools

import jax
import jax.numpy as jnp
from jax import lax
from jax.experimental import pallas as pl
from jax.experimental.pallas import tpu as pltpu
from jax.experimental.pallas import tpu_sc as plsc

N = 10000
E = 320000
D = 128

NC = 2
NS = 16
NW = NC * NS
L = 16
CHUNK = 128
CHUNKS_PER_W = 80
E_PER_W = CHUNKS_PER_W * CHUNK
E_PAD = NW * E_PER_W
N_PAD = 10240
ROWS_PER_SUB = N_PAD // NS

_mesh = plsc.VectorSubcoreMesh(core_axis_name="c", subcore_axis_name="s")

_cp = pltpu.CompilerParams()
if "needs_layout_passes" in pltpu.CompilerParams.__dataclass_fields__:
    _cp = dataclasses.replace(_cp, needs_layout_passes=False)


@functools.partial(
    pl.kernel,
    out_type=jax.ShapeDtypeStruct((NW * N_PAD,), jnp.float32),
    mesh=_mesh,
    scratch_types=[
        pltpu.VMEM((E_PER_W,), jnp.int32),
        pltpu.VMEM((N_PAD,), jnp.float32),
    ],
    compiler_params=_cp,
)
def _hist_kernel(dst_hbm, out_hbm, idx_v, hist_v):
    c = lax.axis_index("c")
    s = lax.axis_index("s")
    wid = s * NC + c
    pltpu.sync_copy(dst_hbm.at[pl.ds(wid * E_PER_W, E_PER_W)], idx_v)

    @pl.loop(0, N_PAD // L)
    def _(i):
        hist_v[pl.ds(i * L, L)] = jnp.zeros((L,), jnp.float32)

    ones = jnp.ones((L,), jnp.float32)

    @pl.loop(0, E_PER_W // L)
    def _(t):
        idx = idx_v[pl.ds(t * L, L)]
        plsc.addupdate_scatter(hist_v, [idx], ones)

    pltpu.sync_copy(hist_v, out_hbm.at[pl.ds(wid * N_PAD, N_PAD)])


@functools.partial(
    pl.kernel,
    out_type=jax.ShapeDtypeStruct((NC, N_PAD, D), jnp.float32),
    mesh=_mesh,
    scratch_types=[
        pltpu.VMEM((2, CHUNK), jnp.int32),
        pltpu.VMEM((2, CHUNK), jnp.int32),
        pltpu.VMEM((2, CHUNK), jnp.int32),
        pltpu.VMEM((2, CHUNK), jnp.int32),
        pltpu.VMEM((CHUNK, D), jnp.float32),
        pltpu.VMEM((CHUNK, D), jnp.float32),
        pltpu.VMEM_SHARED((N_PAD, D), jnp.float32),
        pltpu.SemaphoreType.DMA,
        pltpu.SemaphoreType.DMA,
        pltpu.SemaphoreType.DMA,
        pltpu.SemaphoreType.DMA,
        pltpu.SemaphoreType.DMA,
        pltpu.SemaphoreType.DMA,
    ],
)
def _scatter_kernel(u_hbm, edges_hbm, z128_hbm, out_hbm,
                    e0, e1, e2, e3, rows0, rows1, acc_sh,
                    semE0, semE1, semE2, semE3, semG0, semG1):
    c = lax.axis_index("c")
    s = lax.axis_index("s")
    wid = s * NC + c
    g0 = wid * CHUNKS_PER_W
    ebufs = (e0, e1, e2, e3)
    esems = (semE0, semE1, semE2, semE3)

    def idx_issue(j, k):
        pltpu.async_copy(edges_hbm.at[pl.ds(2 * (g0 + j), 2)], ebufs[k], esems[k])

    def idx_wait(j, k):
        pltpu.make_async_copy(edges_hbm.at[pl.ds(2 * (g0 + j), 2)],
                              ebufs[k], esems[k]).wait()

    def gather_issue(k, rbuf, sem):
        pltpu.async_copy(u_hbm.at[ebufs[k].at[0]], rbuf, sem)

    def gather_wait(k, rbuf, sem):
        pltpu.make_async_copy(u_hbm.at[ebufs[k].at[0]], rbuf, sem).wait()

    def scatter(k, rbuf):
        pltpu.sync_copy(rbuf, acc_sh.at[ebufs[k].at[1]], add=True)

    idx_issue(0, 0)
    idx_issue(1, 1)
    idx_issue(2, 2)
    idx_issue(3, 3)
    pltpu.sync_copy(z128_hbm.at[pl.ds(s * ROWS_PER_SUB, ROWS_PER_SUB)],
                    acc_sh.at[pl.ds(s * ROWS_PER_SUB, ROWS_PER_SUB)])
    plsc.subcore_barrier()
    idx_wait(0, 0)
    gather_issue(0, rows0, semG0)

    @pl.loop(0, CHUNKS_PER_W // 4)
    def _(i):
        j = i * 4
        idx_wait(j + 1, 1)
        gather_issue(1, rows1, semG1)
        gather_wait(0, rows0, semG0)
        scatter(0, rows0)

        @pl.when(j + 4 < CHUNKS_PER_W)
        def _():
            idx_issue(j + 4, 0)

        idx_wait(j + 2, 2)
        gather_issue(2, rows0, semG0)
        gather_wait(1, rows1, semG1)
        scatter(1, rows1)

        @pl.when(j + 5 < CHUNKS_PER_W)
        def _():
            idx_issue(j + 5, 1)

        idx_wait(j + 3, 3)
        gather_issue(3, rows1, semG1)
        gather_wait(2, rows0, semG0)
        scatter(2, rows0)

        @pl.when(j + 6 < CHUNKS_PER_W)
        def _():
            idx_issue(j + 6, 2)

        @pl.when(j + 4 < CHUNKS_PER_W)
        def _():
            idx_wait(j + 4, 0)
            gather_issue(0, rows0, semG0)

        gather_wait(3, rows1, semG1)
        scatter(3, rows1)

        @pl.when(j + 7 < CHUNKS_PER_W)
        def _():
            idx_issue(j + 7, 3)

    plsc.subcore_barrier()
    pltpu.sync_copy(acc_sh.at[pl.ds(s * ROWS_PER_SUB, ROWS_PER_SUB)],
                    out_hbm.at[c, pl.ds(s * ROWS_PER_SUB, ROWS_PER_SUB)])


_MM_BLK = 1024


def _dot3(a, b):
    dn = (((1,), (0,)), ((), ()))
    f32 = jnp.float32
    ah = a.astype(jnp.bfloat16)
    al = (a - ah.astype(f32)).astype(jnp.bfloat16)
    bh = b.astype(jnp.bfloat16)
    bl = (b - bh.astype(f32)).astype(jnp.bfloat16)
    hh = lax.dot_general(ah, bh, dn, preferred_element_type=f32)
    hl = lax.dot_general(ah, bl, dn, preferred_element_type=f32)
    lh = lax.dot_general(al, bh, dn, preferred_element_type=f32)
    return hh + hl + lh


def _mm_body(x_ref, w1_ref, w3_ref, wg_ref, b1_ref, b3_ref,
             hw_ref, wc_ref, rb_ref):
    @pl.when(pl.program_id(0) == 0)
    def _():
        w13 = _dot3(w1_ref[...], w3_ref[...])
        wc_ref[...] = _dot3(w13, wg_ref[...])
        rb13 = _dot3(b1_ref[...], w3_ref[...]) + b3_ref[...]
        rb_ref[...] = _dot3(rb13, wg_ref[...])

    hw_ref[...] = _dot3(x_ref[...], wc_ref[...]) + rb_ref[...]


def _run_mm(x_p, W1, W3, Wg, b1r, b3r):
    grid = (N_PAD // _MM_BLK,)
    return pl.pallas_call(
        _mm_body,
        grid=grid,
        in_specs=[
            pl.BlockSpec((_MM_BLK, D), lambda i: (i, 0)),
            pl.BlockSpec((D, D), lambda i: (0, 0)),
            pl.BlockSpec((D, D), lambda i: (0, 0)),
            pl.BlockSpec((D, D), lambda i: (0, 0)),
            pl.BlockSpec((1, D), lambda i: (0, 0)),
            pl.BlockSpec((1, D), lambda i: (0, 0)),
        ],
        out_specs=pl.BlockSpec((_MM_BLK, D), lambda i: (i, 0)),
        out_shape=jax.ShapeDtypeStruct((N_PAD, D), jnp.float32),
        scratch_shapes=[pltpu.VMEM((D, D), jnp.float32),
                        pltpu.VMEM((1, D), jnp.float32)],
    )(x_p, W1, W3, Wg, b1r, b3r)


def _scale_body(hw_ref, deg_ref, u_ref, dis_ref):
    deg = jnp.sum(deg_ref[...], axis=0) + 1.0
    dis = lax.rsqrt(deg)
    dis_ref[...] = dis
    u_ref[...] = hw_ref[...] * dis[:, None]


def _run_scale(hw, deg32):
    grid = (N_PAD // _MM_BLK,)
    return pl.pallas_call(
        _scale_body,
        grid=grid,
        in_specs=[
            pl.BlockSpec((_MM_BLK, D), lambda i: (i, 0)),
            pl.BlockSpec((NW, _MM_BLK), lambda i: (0, i)),
        ],
        out_specs=[
            pl.BlockSpec((_MM_BLK, D), lambda i: (i, 0)),
            pl.BlockSpec((_MM_BLK,), lambda i: (i,)),
        ],
        out_shape=[
            jax.ShapeDtypeStruct((N_PAD, D), jnp.float32),
            jax.ShapeDtypeStruct((N_PAD,), jnp.float32),
        ],
    )(hw, deg32)


def _fin_body(p_ref, u_ref, dis_ref, bg_ref, o_ref):
    acc = p_ref[0] + p_ref[1] + u_ref[...]
    o_ref[...] = acc * dis_ref[...][:, None] + bg_ref[...]


def _run_final(partials, u, dis, bgr):
    grid = (N_PAD // _MM_BLK,)
    return pl.pallas_call(
        _fin_body,
        grid=grid,
        in_specs=[
            pl.BlockSpec((NC, _MM_BLK, D), lambda i: (0, i, 0)),
            pl.BlockSpec((_MM_BLK, D), lambda i: (i, 0)),
            pl.BlockSpec((_MM_BLK,), lambda i: (i,)),
            pl.BlockSpec((1, D), lambda i: (0, 0)),
        ],
        out_specs=pl.BlockSpec((_MM_BLK, D), lambda i: (i, 0)),
        out_shape=jax.ShapeDtypeStruct((N_PAD, D), jnp.float32),
    )(partials, u, dis, bgr)


def kernel(x, edge_index, batch, W1, b1, W3, b3, Wg, bg):
    del batch
    src = edge_index[0]
    dst = edge_index[1]
    pad = E_PAD - E
    src_p = jnp.concatenate([src, jnp.full((pad,), N, jnp.int32)])
    dst_p = jnp.concatenate([dst, jnp.full((pad,), N, jnp.int32)])
    src2 = src_p.reshape(E_PAD // CHUNK, CHUNK)
    dst2 = dst_p.reshape(E_PAD // CHUNK, CHUNK)
    edges2 = jnp.stack([src2, dst2], axis=1).reshape(-1, CHUNK)
    x_p = jnp.zeros((N_PAD, D), jnp.float32).at[:N].set(x)
    z128 = jnp.zeros((N_PAD, D), jnp.float32)
    b1r = b1.reshape(1, D)
    b3r = b3.reshape(1, D)
    bgr = bg.reshape(1, D)

    deg_flat = _hist_kernel(dst_p)
    deg32 = deg_flat.reshape(NW, N_PAD)
    hw = _run_mm(x_p, W1, W3, Wg, b1r, b3r)
    u, dis = _run_scale(hw, deg32)
    partials = _scatter_kernel(u, edges2, z128)
    return _run_final(partials, u, dis, bgr)[:N]

# --- scband reference (transcript-rebuilt; emitter-appended) ---
"""Pipeline reference for scband-decoder-16157666968393 (READ-ONLY COPY).

The authoritative reference and input builder live on the scoring server;
editing this copy changes nothing except your own understanding.
"""

import jax, jax.numpy as jnp
import numpy as np

N = 10000
E = 320000
D_LAT = 128
D_H = 128
D_IN = 128


def setup_inputs(seed: int = 0) -> dict:
    key = jax.random.key(seed)
    ks = jax.random.split(key, 10)
    x = jax.random.normal(ks[0], (N, D_LAT), dtype=jnp.float32)
    edge_index = jax.random.randint(ks[1], (2, E), 0, N, dtype=jnp.int32)
    batch = jnp.sort(jax.random.randint(ks[2], (N,), 0, 64, dtype=jnp.int32))
    # linear1: latent_dims -> latent_dims  (stored as [in, out])
    W1 = jax.random.normal(ks[3], (D_LAT, D_LAT), dtype=jnp.float32) * (1.0 / np.sqrt(D_LAT))
    b1 = jnp.zeros((D_LAT,), dtype=jnp.float32)
    # linear3: latent_dims -> dim_h
    W3 = jax.random.normal(ks[4], (D_LAT, D_H), dtype=jnp.float32) * (1.0 / np.sqrt(D_LAT))
    b3 = jnp.zeros((D_H,), dtype=jnp.float32)
    # GCNConv: dim_h -> dim_in
    Wg = jax.random.normal(ks[5], (D_H, D_IN), dtype=jnp.float32) * (1.0 / np.sqrt(D_H))
    bg = jnp.zeros((D_IN,), dtype=jnp.float32)
    return {"x": x, "edge_index": edge_index, "batch": batch,
            "W1": W1, "b1": b1, "W3": W3, "b3": b3, "Wg": Wg, "bg": bg}


def _gcn_conv(h, edge_index, Wg, bg, n_nodes):
    # PyG GCNConv: add self-loops, symmetric normalization, scatter-add aggregation
    h = h @ Wg
    src = edge_index[0]
    dst = edge_index[1]
    loop = jnp.arange(n_nodes, dtype=src.dtype)
    src_a = jnp.concatenate([src, loop])
    dst_a = jnp.concatenate([dst, loop])
    deg = jnp.zeros((n_nodes,), dtype=h.dtype).at[dst_a].add(1.0)
    deg_inv_sqrt = jnp.where(deg > 0, 1.0 / jnp.sqrt(deg), 0.0)
    norm = deg_inv_sqrt[src_a] * deg_inv_sqrt[dst_a]
    msgs = h[src_a] * norm[:, None]
    out = jnp.zeros((n_nodes, h.shape[1]), dtype=h.dtype).at[dst_a].add(msgs)
    return out + bg


def reference(x, edge_index, batch, W1, b1, W3, b3, Wg, bg):
    l1 = x @ W1 + b1
    l3 = l1 @ W3 + b3
    g2 = _gcn_conv(l3, edge_index, Wg, bg, x.shape[0])
    return g2

if __name__ == "__main__":
    import jax
    _d = setup_inputs()
    print(jax.jit(kernel)(*tuple(_d.values())))

</pallas_src>

<mosaic_0001>
#map = affine_map<(d0, d1) -> (0)>
module attributes {stable_mosaic.version = 14 : i64} {
  func.func @_hist_kernel(%arg0: i32, %arg1: i32, %arg2: memref<327680xi32, #tpu.memory_space<hbm>>, %arg3: memref<327680xf32, #tpu.memory_space<hbm>>, %arg4: memref<10240xi32, #tpu.memory_space<vmem>>, %arg5: memref<10240xf32, #tpu.memory_space<vmem>>) attributes {dimension_semantics = [#tpu.dimension_semantics<core_parallel>, #tpu.dimension_semantics<subcore_parallel>], iteration_bounds = array<i64: 2, 16>, scalar_prefetch = 0 : i64, scratch_operands = 2 : i64, tpu.core_type = #tpu.core_type<sc_vector_subcore>, window_params = [{transform_indices = #map}, {transform_indices = #map}]} {
    %mul3A = arith.constant 2 : i32
    %mul3A_0 = arith.muli %arg1, %mul3A : i32
    %add3A = arith.addi %mul3A_0, %arg0 : i32
    %mul3A_1 = arith.constant 10240 : i32
    %mul3A_2 = arith.muli %add3A, %mul3A_1 : i32
    "tpu.region"() ({
      %run_scoped3A = tpu.sem_alloc : memref<!tpu.dma_semaphore, #tpu.memory_space<semaphore_mem>>
      %dma_start3A = tpu.memref_slice %arg2[%mul3A_2] : memref<327680xi32, #tpu.memory_space<hbm>> -> memref<10240xi32, #tpu.memory_space<hbm>>
      %dma_start3A_15 = tpu.memref_slice %arg2[%mul3A_2] : memref<327680xi32, #tpu.memory_space<hbm>> -> memref<10240xi32, #tpu.memory_space<hbm>>
      tpu.enqueue_dma source(%dma_start3A_15 : memref<10240xi32, #tpu.memory_space<hbm>>) target(%arg4 : memref<10240xi32, #tpu.memory_space<vmem>>) target_semaphore(%run_scoped3A : memref<!tpu.dma_semaphore, #tpu.memory_space<semaphore_mem>>)
      %dma_wait3A = tpu.memref_slice %arg2[%mul3A_2] : memref<327680xi32, #tpu.memory_space<hbm>> -> memref<10240xi32, #tpu.memory_space<hbm>>
      %dma_wait3A_16 = tpu.memref_slice %arg2[%mul3A_2] : memref<327680xi32, #tpu.memory_space<hbm>> -> memref<10240xi32, #tpu.memory_space<hbm>>
      tpu.wait_dma2 semaphore(%run_scoped3A : memref<!tpu.dma_semaphore, #tpu.memory_space<semaphore_mem>>) src(%dma_wait3A_16 : memref<10240xi32, #tpu.memory_space<hbm>>) dst(%arg4 : memref<10240xi32, #tpu.memory_space<vmem>>)
      tpu.yield
    }) : () -> ()
    %scan3A = arith.constant 0 : i32
    %scan3A_3 = arith.constant 640 : i32
    %scan3A_4 = arith.addi %scan3A, %scan3A_3 : i32
    %scan3A_5 = arith.constant 1 : i32
    scf.for %scan3A_15 = %scan3A to %scan3A_4 step %scan3A_5  : i32 {
      %mul3A_16 = arith.constant 1 : i32
      %mul3A_17 = arith.muli %scan3A_15, %mul3A_16 : i32
      %add3A_18 = arith.constant 0 : i32
      %add3A_19 = arith.addi %add3A_18, %mul3A_17 : i32
      %broadcast_in_dim3A_20 = arith.constant 0.000000e+00 : f32
      %broadcast_in_dim3A_21 = vector.broadcast %broadcast_in_dim3A_20 : f32 to vector<16xf32>
      %mul3A_22 = arith.constant 16 : i32
      %mul3A_23 = arith.muli %add3A_19, %mul3A_22 : i32
      %swap3A = arith.index_cast %mul3A_23 : i32 to index
      %swap3A_24 = tpu.vector_load %arg5[%swap3A] {strides = array<i32>} : memref<10240xf32, #tpu.memory_space<vmem>>, vector<16xf32>,
      tpu.vector_store %arg5[%swap3A], %broadcast_in_dim3A_21 {strides = array<i32>} : memref<10240xf32, #tpu.memory_space<vmem>>, vector<16xf32>,
    }
    %scan3A_6 = arith.constant 640 : i32
    %broadcast_in_dim3A = arith.constant 1.000000e+00 : f32
    %broadcast_in_dim3A_7 = vector.broadcast %broadcast_in_dim3A : f32 to vector<16xf32>
    %scan3A_8 = arith.constant 0 : i32
    %scan3A_9 = arith.constant 640 : i32
    %scan3A_10 = arith.addi %scan3A_8, %scan3A_9 : i32
    %scan3A_11 = arith.constant 1 : i32
    scf.for %scan3A_15 = %scan3A_8 to %scan3A_10 step %scan3A_11  : i32 {
      %mul3A_16 = arith.constant 1 : i32
      %mul3A_17 = arith.muli %scan3A_15, %mul3A_16 : i32
      %add3A_18 = arith.constant 0 : i32
      %add3A_19 = arith.addi %add3A_18, %mul3A_17 : i32
      %mul3A_20 = arith.constant 16 : i32
      %mul3A_21 = arith.muli %add3A_19, %mul3A_20 : i32
      %get3A = arith.index_cast %mul3A_21 : i32 to index
      %get3A_22 = tpu.vector_load %arg4[%get3A] {strides = array<i32>} : memref<10240xi32, #tpu.memory_space<vmem>>, vector<16xi32>,
      tpu.vector_store_idx %arg5[%get3A_22], %broadcast_in_dim3A_7 {add = true} : memref<10240xf32, #tpu.memory_space<vmem>>[vector<16xi32>], vector<16xf32>,
    }
    %scan3A_12 = arith.constant 640 : i32
    %mul3A_13 = arith.constant 10240 : i32
    %mul3A_14 = arith.muli %add3A, %mul3A_13 : i32
    "tpu.region"() ({
      %run_scoped3A = tpu.sem_alloc : memref<!tpu.dma_semaphore, #tpu.memory_space<semaphore_mem>>
      %dma_start3A = tpu.memref_slice %arg3[%mul3A_14] : memref<327680xf32, #tpu.memory_space<hbm>> -> memref<10240xf32, #tpu.memory_space<hbm>>
      %dma_start3A_15 = tpu.memref_slice %arg3[%mul3A_14] : memref<327680xf32, #tpu.memory_space<hbm>> -> memref<10240xf32, #tpu.memory_space<hbm>>
      tpu.enqueue_dma source(%arg5 : memref<10240xf32, #tpu.memory_space<vmem>>) target(%dma_start3A_15 : memref<10240xf32, #tpu.memory_space<hbm>>) target_semaphore(%run_scoped3A : memref<!tpu.dma_semaphore, #tpu.memory_space<semaphore_mem>>)
      %dma_wait3A = tpu.memref_slice %arg3[%mul3A_14] : memref<327680xf32, #tpu.memory_space<hbm>> -> memref<10240xf32, #tpu.memory_space<hbm>>
      %dma_wait3A_16 = tpu.memref_slice %arg3[%mul3A_14] : memref<327680xf32, #tpu.memory_space<hbm>> -> memref<10240xf32, #tpu.memory_space<hbm>>
      tpu.wait_dma2 semaphore(%run_scoped3A : memref<!tpu.dma_semaphore, #tpu.memory_space<semaphore_mem>>) src(%arg5 : memref<10240xf32, #tpu.memory_space<vmem>>) dst(%dma_wait3A_16 : memref<10240xf32, #tpu.memory_space<hbm>>)
      tpu.yield
    }) : () -> ()
    return
  }
}

#map = affine_map<(d0, d1) -> (0, 0)>
#map1 = affine_map<(d0, d1) -> (0, 0, 0)>
module attributes {stable_mosaic.version = 14 : i64} {
  func.func @_scatter_kernel(%arg0: i32, %arg1: i32, %arg2: memref<10240x128xf32, #tpu.memory_space<hbm>>, %arg3: memref<5120x128xi32, #tpu.memory_space<hbm>>, %arg4: memref<10240x128xf32, #tpu.memory_space<hbm>>, %arg5: memref<2x10240x128xf32, #tpu.memory_space<hbm>>, %arg6: memref<2x128xi32, #tpu.memory_space<vmem>>, %arg7: memref<2x128xi32, #tpu.memory_space<vmem>>, %arg8: memref<2x128xi32, #tpu.memory_space<vmem>>, %arg9: memref<2x128xi32, #tpu.memory_space<vmem>>, %arg10: memref<128x128xf32, #tpu.memory_space<vmem>>, %arg11: memref<128x128xf32, #tpu.memory_space<vmem>>, %arg12: memref<10240x128xf32, #tpu.memory_space<vmem_shared>>, %arg13: memref<!tpu.dma_semaphore, #tpu.memory_space<semaphore_mem>>, %arg14: memref<!tpu.dma_semaphore, #tpu.memory_space<semaphore_mem>>, %arg15: memref<!tpu.dma_semaphore, #tpu.memory_space<semaphore_mem>>, %arg16: memref<!tpu.dma_semaphore, #tpu.memory_space<semaphore_mem>>, %arg17: memref<!tpu.dma_semaphore, #tpu.memory_space<semaphore_mem>>, %arg18: memref<!tpu.dma_semaphore, #tpu.memory_space<semaphore_mem>>) attributes {dimension_semantics = [#tpu.dimension_semantics<core_parallel>, #tpu.dimension_semantics<subcore_parallel>], iteration_bounds = array<i64: 2, 16>, scalar_prefetch = 0 : i64, scratch_operands = 13 : i64, tpu.core_type = #tpu.core_type<sc_vector_subcore>, window_params = [{transform_indices = #map}, {transform_indices = #map}, {transform_indices = #map}, {transform_indices = #map1}]} {
    %mul3A = arith.constant 2 : i32
    %mul3A_0 = arith.muli %arg1, %mul3A : i32
    %add3A = arith.addi %mul3A_0, %arg0 : i32
    %mul3A_1 = arith.constant 80 : i32
    %mul3A_2 = arith.muli %add3A, %mul3A_1 : i32
    %add3A_3 = arith.constant 0 : i32
    %add3A_4 = arith.addi %mul3A_2, %add3A_3 : i32
    %mul3A_5 = arith.constant 2 : i32
    %mul3A_6 = arith.muli %mul3A_5, %add3A_4 : i32
    %dma_start3A = arith.constant 0 : i32
    %dma_start3A_7 = tpu.memref_slice %arg3[%mul3A_6, %dma_start3A] : memref<5120x128xi32, #tpu.memory_space<hbm>> -> memref<2x128xi32, #tpu.memory_space<hbm>>
    %dma_start3A_8 = arith.constant 0 : i32
    %dma_start3A_9 = tpu.memref_slice %arg3[%mul3A_6, %dma_start3A_8] : memref<5120x128xi32, #tpu.memory_space<hbm>> -> memref<2x128xi32, #tpu.memory_space<hbm>>
    tpu.enqueue_dma source(%dma_start3A_9 : memref<2x128xi32, #tpu.memory_space<hbm>>) target(%arg6 : memref<2x128xi32, #tpu.memory_space<vmem>>) target_semaphore(%arg13 : memref<!tpu.dma_semaphore, #tpu.memory_space<semaphore_mem>>)
    %add3A_10 = arith.constant 1 : i32
    %add3A_11 = arith.addi %mul3A_2, %add3A_10 : i32
    %mul3A_12 = arith.constant 2 : i32
    %mul3A_13 = arith.muli %mul3A_12, %add3A_11 : i32
    %dma_start3A_14 = arith.constant 0 : i32
    %dma_start3A_15 = tpu.memref_slice %arg3[%mul3A_13, %dma_start3A_14] : memref<5120x128xi32, #tpu.memory_space<hbm>> -> memref<2x128xi32, #tpu.memory_space<hbm>>
    %dma_start3A_16 = arith.constant 0 : i32
    %dma_start3A_17 = tpu.memref_slice %arg3[%mul3A_13, %dma_start3A_16] : memref<5120x128xi32, #tpu.memory_space<hbm>> -> memref<2x128xi32, #tpu.memory_space<hbm>>
    tpu.enqueue_dma source(%dma_start3A_17 : memref<2x128xi32, #tpu.memory_space<hbm>>) target(%arg7 : memref<2x128xi32, #tpu.memory_space<vmem>>) target_semaphore(%arg14 : memref<!tpu.dma_semaphore, #tpu.memory_space<semaphore_mem>>)
    %add3A_18 = arith.constant 2 : i32
    %add3A_19 = arith.addi %mul3A_2, %add3A_18 : i32
    %mul3A_20 = arith.constant 2 : i32
    %mul3A_21 = arith.muli %mul3A_20, %add3A_19 : i32
    %dma_start3A_22 = arith.constant 0 : i32
    %dma_start3A_23 = tpu.memref_slice %arg3[%mul3A_21, %dma_start3A_22] : memref<5120x128xi32, #tpu.memory_space<hbm>> -> memref<2x128xi32, #tpu.memory_space<hbm>>
    %dma_start3A_24 = arith.constant 0 : i32
    %dma_start3A_25 = tpu.memref_slice %arg3[%mul3A_21, %dma_start3A_24] : memref<5120x128xi32, #tpu.memory_space<hbm>> -> memref<2x128xi32, #tpu.memory_space<hbm>>
    tpu.enqueue_dma source(%dma_start3A_25 : memref<2x128xi32, #tpu.memory_space<hbm>>) target(%arg8 : memref<2x128xi32, #tpu.memory_space<vmem>>) target_semaphore(%arg15 : memref<!tpu.dma_semaphore, #tpu.memory_space<semaphore_mem>>)
    %add3A_26 = arith.constant 3 : i32
    %add3A_27 = arith.addi %mul3A_2, %add3A_26 : i32
    %mul3A_28 = arith.constant 2 : i32
    %mul3A_29 = arith.muli %mul3A_28, %add3A_27 : i32
    %dma_start3A_30 = arith.constant 0 : i32
    %dma_start3A_31 = tpu.memref_slice %arg3[%mul3A_29, %dma_start3A_30] : memref<5120x128xi32, #tpu.memory_space<hbm>> -> memref<2x128xi32, #tpu.memory_space<hbm>>
    %dma_start3A_32 = arith.constant 0 : i32
    %dma_start3A_33 = tpu.memref_slice %arg3[%mul3A_29, %dma_start3A_32] : memref<5120x128xi32, #tpu.memory_space<hbm>> -> memref<2x128xi32, #tpu.memory_space<hbm>>
    tpu.enqueue_dma source(%dma_start3A_33 : memref<2x128xi32, #tpu.memory_space<hbm>>) target(%arg9 : memref<2x128xi32, #tpu.memory_space<vmem>>) target_semaphore(%arg16 : memref<!tpu.dma_semaphore, #tpu.memory_space<semaphore_mem>>)
    %mul3A_34 = arith.constant 640 : i32
    %mul3A_35 = arith.muli %arg1, %mul3A_34 : i32
    %mul3A_36 = arith.constant 640 : i32
    %mul3A_37 = arith.muli %arg1, %mul3A_36 : i32
    "tpu.region"() ({
      %run_scoped3A = tpu.sem_alloc : memref<!tpu.dma_semaphore, #tpu.memory_space<semaphore_mem>>
      %dma_start3A_61 = arith.constant 0 : i32
      %dma_start3A_62 = tpu.memref_slice %arg12[%mul3A_37, %dma_start3A_61] : memref<10240x128xf32, #tpu.memory_space<vmem_shared>> -> memref<640x128xf32, #tpu.memory_space<vmem_shared>>
      %dma_start3A_63 = arith.constant 0 : i32
      %dma_start3A_64 = tpu.memref_slice %arg4[%mul3A_35, %dma_start3A_63] : memref<10240x128xf32, #tpu.memory_space<hbm>> -> memref<640x128xf32, #tpu.memory_space<hbm>>
      tpu.enqueue_dma source(%dma_start3A_64 : memref<640x128xf32, #tpu.memory_space<hbm>>) target(%dma_start3A_62 : memref<640x128xf32, #tpu.memory_space<vmem_shared>>) target_semaphore(%run_scoped3A : memref<!tpu.dma_semaphore, #tpu.memory_space<semaphore_mem>>)
      %dma_wait3A_65 = arith.constant 0 : i32
      %dma_wait3A_66 = tpu.memref_slice %arg12[%mul3A_37, %dma_wait3A_65] : memref<10240x128xf32, #tpu.memory_space<vmem_shared>> -> memref<640x128xf32, #tpu.memory_space<vmem_shared>>
      %dma_wait3A_67 = arith.constant 0 : i32
      %dma_wait3A_68 = tpu.memref_slice %arg4[%mul3A_35, %dma_wait3A_67] : memref<10240x128xf32, #tpu.memory_space<hbm>> -> memref<640x128xf32, #tpu.memory_space<hbm>>
      tpu.wait_dma2 semaphore(%run_scoped3A : memref<!tpu.dma_semaphore, #tpu.memory_space<semaphore_mem>>) src(%dma_wait3A_68 : memref<640x128xf32, #tpu.memory_space<hbm>>) dst(%dma_wait3A_66 : memref<640x128xf32, #tpu.memory_space<vmem_shared>>)
      tpu.yield
    }) : () -> ()
    %barrier3A = arith.constant 0 : index
    tpu.barrier barrier_id(%barrier3A)
    %add3A_38 = arith.constant 0 : i32
    %add3A_39 = arith.addi %mul3A_2, %add3A_38 : i32
    %mul3A_40 = arith.constant 2 : i32
    %mul3A_41 = arith.muli %mul3A_40, %add3A_39 : i32
    %dma_wait3A = arith.constant 0 : i32
    %dma_wait3A_42 = tpu.memref_slice %arg3[%mul3A_41, %dma_wait3A] : memref<5120x128xi32, #tpu.memory_space<hbm>> -> memref<2x128xi32, #tpu.memory_space<hbm>>
    %dma_wait3A_43 = arith.constant 0 : i32
    %dma_wait3A_44 = tpu.memref_slice %arg3[%mul3A_41, %dma_wait3A_43] : memref<5120x128xi32, #tpu.memory_space<hbm>> -> memref<2x128xi32, #tpu.memory_space<hbm>>
    tpu.wait_dma2 semaphore(%arg13 : memref<!tpu.dma_semaphore, #tpu.memory_space<semaphore_mem>>) src(%dma_wait3A_44 : memref<2x128xi32, #tpu.memory_space<hbm>>) dst(%arg6 : memref<2x128xi32, #tpu.memory_space<vmem>>)
    %dma_start3A_45 = arith.constant 0 : i32
    %dma_start3A_46 = arith.constant 0 : i32
    %dma_start3A_47 = tpu.memref_slice %arg6[%dma_start3A_45, %dma_start3A_46] : memref<2x128xi32, #tpu.memory_space<vmem>> -> memref<1x128xi32, #tpu.memory_space<vmem>>
    %dma_start3A_48 = tpu.memref_squeeze %dma_start3A_47 : memref<1x128xi32, #tpu.memory_space<vmem>> -> memref<128xi32, #tpu.memory_space<vmem>>
    %dma_start3A_49 = arith.constant 0 : i32
    %dma_start3A_50 = arith.constant 0 : i32
    %dma_start3A_51 = tpu.memref_slice %arg2[%dma_start3A_49, %dma_start3A_50] : memref<10240x128xf32, #tpu.memory_space<hbm>> -> memref<10240x128xf32, #tpu.memory_space<hbm>>
    tpu.enqueue_indirect_dma source(%dma_start3A_51 : memref<10240x128xf32, #tpu.memory_space<hbm>>) target(%arg10 : memref<128x128xf32, #tpu.memory_space<vmem>>) offsets(%dma_start3A_48 : memref<128xi32, #tpu.memory_space<vmem>>) semaphore(%arg17 : memref<!tpu.dma_semaphore, #tpu.memory_space<semaphore_mem>>)
    %scan3A = arith.constant 0 : i32
    %scan3A_52 = arith.constant 20 : i32
    %scan3A_53 = arith.addi %scan3A, %scan3A_52 : i32
    %scan3A_54 = arith.constant 1 : i32
    scf.for %scan3A_61 = %scan3A to %scan3A_53 step %scan3A_54  : i32 {
      %mul3A_62 = arith.constant 1 : i32
      %mul3A_63 = arith.muli %scan3A_61, %mul3A_62 : i32
      %add3A_64 = arith.constant 0 : i32
      %add3A_65 = arith.addi %add3A_64, %mul3A_63 : i32
      %mul3A_66 = arith.constant 4 : i32
      %mul3A_67 = arith.muli %add3A_65, %mul3A_66 : i32
      %add3A_68 = arith.constant 1 : i32
      %add3A_69 = arith.addi %mul3A_67, %add3A_68 : i32
      %add3A_70 = arith.addi %mul3A_2, %add3A_69 : i32
      %mul3A_71 = arith.constant 2 : i32
      %mul3A_72 = arith.muli %mul3A_71, %add3A_70 : i32
      %dma_wait3A_73 = arith.constant 0 : i32
      %dma_wait3A_74 = tpu.memref_slice %arg3[%mul3A_72, %dma_wait3A_73] : memref<5120x128xi32, #tpu.memory_space<hbm>> -> memref<2x128xi32, #tpu.memory_space<hbm>>
      %dma_wait3A_75 = arith.constant 0 : i32
      %dma_wait3A_76 = tpu.memref_slice %arg3[%mul3A_72, %dma_wait3A_75] : memref<5120x128xi32, #tpu.memory_space<hbm>> -> memref<2x128xi32, #tpu.memory_space<hbm>>
      tpu.wait_dma2 semaphore(%arg14 : memref<!tpu.dma_semaphore, #tpu.memory_space<semaphore_mem>>) src(%dma_wait3A_76 : memref<2x128xi32, #tpu.memory_space<hbm>>) dst(%arg7 : memref<2x128xi32, #tpu.memory_space<vmem>>)
      %dma_start3A_77 = arith.constant 0 : i32
      %dma_start3A_78 = arith.constant 0 : i32
      %dma_start3A_79 = tpu.memref_slice %arg7[%dma_start3A_77, %dma_start3A_78] : memref<2x128xi32, #tpu.memory_space<vmem>> -> memref<1x128xi32, #tpu.memory_space<vmem>>
      %dma_start3A_80 = tpu.memref_squeeze %dma_start3A_79 : memref<1x128xi32, #tpu.memory_space<vmem>> -> memref<128xi32, #tpu.memory_space<vmem>>
      %dma_start3A_81 = arith.constant 0 : i32
      %dma_start3A_82 = arith.constant 0 : i32
      %dma_start3A_83 = tpu.memref_slice %arg2[%dma_start3A_81, %dma_start3A_82] : memref<10240x128xf32, #tpu.memory_space<hbm>> -> memref<10240x128xf32, #tpu.memory_space<hbm>>
      tpu.enqueue_indirect_dma source(%dma_start3A_83 : memref<10240x128xf32, #tpu.memory_space<hbm>>) target(%arg11 : memref<128x128xf32, #tpu.memory_space<vmem>>) offsets(%dma_start3A_80 : memref<128xi32, #tpu.memory_space<vmem>>) semaphore(%arg18 : memref<!tpu.dma_semaphore, #tpu.memory_space<semaphore_mem>>)
      %dma_wait3A_84 = arith.constant 0 : i32
      %dma_wait3A_85 = arith.constant 0 : i32
      %dma_wait3A_86 = tpu.memref_slice %arg6[%dma_wait3A_84, %dma_wait3A_85] : memref<2x128xi32, #tpu.memory_space<vmem>> -> memref<1x128xi32, #tpu.memory_space<vmem>>
      %dma_wait3A_87 = tpu.memref_squeeze %dma_wait3A_86 : memref<1x128xi32, #tpu.memory_space<vmem>> -> memref<128xi32, #tpu.memory_space<vmem>>
      %dma_wait3A_88 = arith.constant 0 : i32
      %dma_wait3A_89 = arith.constant 0 : i32
      %dma_wait3A_90 = tpu.memref_slice %arg2[%dma_wait3A_88, %dma_wait3A_89] : memref<10240x128xf32, #tpu.memory_space<hbm>> -> memref<10240x128xf32, #tpu.memory_space<hbm>>
      tpu.wait_indirect_dma semaphore(%arg17 : memref<!tpu.dma_semaphore, #tpu.memory_space<semaphore_mem>>) src(%dma_wait3A_90 : memref<10240x128xf32, #tpu.memory_space<hbm>>) dst(%arg10 : memref<128x128xf32, #tpu.memory_space<vmem>>)
      %run_scoped3A = arith.constant 1 : i32
      "tpu.region"() ({
        %run_scoped3A_179 = tpu.sem_alloc : memref<!tpu.dma_semaphore, #tpu.memory_space<semaphore_mem>>
        %dma_start3A_180 = arith.constant 0 : i32
        %dma_start3A_181 = tpu.memref_slice %arg6[%run_scoped3A, %dma_start3A_180] : memref<2x128xi32, #tpu.memory_space<vmem>> -> memref<1x128xi32, #tpu.memory_space<vmem>>
        %dma_start3A_182 = tpu.memref_squeeze %dma_start3A_181 : memref<1x128xi32, #tpu.memory_space<vmem>> -> memref<128xi32, #tpu.memory_space<vmem>>
        %dma_start3A_183 = arith.constant 0 : i32
        %dma_start3A_184 = arith.constant 0 : i32
        %dma_start3A_185 = tpu.memref_slice %arg12[%dma_start3A_183, %dma_start3A_184] : memref<10240x128xf32, #tpu.memory_space<vmem_shared>> -> memref<10240x128xf32, #tpu.memory_space<vmem_shared>>
        tpu.enqueue_indirect_dma source(%arg10 : memref<128x128xf32, #tpu.memory_space<vmem>>) target(%dma_start3A_185 : memref<10240x128xf32, #tpu.memory_space<vmem_shared>>) offsets(%dma_start3A_182 : memref<128xi32, #tpu.memory_space<vmem>>) semaphore(%run_scoped3A_179 : memref<!tpu.dma_semaphore, #tpu.memory_space<semaphore_mem>>) {add = true}
        %dma_wait3A_186 = arith.constant 0 : i32
        %dma_wait3A_187 = tpu.memref_slice %arg6[%run_scoped3A, %dma_wait3A_186] : memref<2x128xi32, #tpu.memory_space<vmem>> -> memref<1x128xi32, #tpu.memory_space<vmem>>
        %dma_wait3A_188 = tpu.memref_squeeze %dma_wait3A_187 : memref<1x128xi32, #tpu.memory_space<vmem>> -> memref<128xi32, #tpu.memory_space<vmem>>
        %dma_wait3A_189 = arith.constant 0 : i32
        %dma_wait3A_190 = arith.constant 0 : i32
        %dma_wait3A_191 = tpu.memref_slice %arg12[%dma_wait3A_189, %dma_wait3A_190] : memref<10240x128xf32, #tpu.memory_space<vmem_shared>> -> memref<10240x128xf32, #tpu.memory_space<vmem_shared>>
        tpu.wait_indirect_dma semaphore(%run_scoped3A_179 : memref<!tpu.dma_semaphore, #tpu.memory_space<semaphore_mem>>) src(%arg10 : memref<128x128xf32, #tpu.memory_space<vmem>>) dst(%dma_wait3A_191 : memref<10240x128xf32, #tpu.memory_space<vmem_shared>>)
        tpu.yield
      }) : () -> ()
      %add3A_91 = arith.constant 4 : i32
      %add3A_92 = arith.addi %mul3A_67, %add3A_91 : i32
      %lt3A = arith.constant 80 : i32
      %lt3A_93 = arith.cmpi slt, %add3A_92, %lt3A : i32
      %convert_element_type3A = arith.extui %lt3A_93 : i1 to i32
      %cond3A = arith.constant 0 : i32
      %cond3A_94 = arith.cmpi ne, %convert_element_type3A, %cond3A : i32
      scf.if %cond3A_94 {
        %add3A_179 = arith.constant 4 : i32
        %add3A_180 = arith.addi %mul3A_67, %add3A_179 : i32
        %add3A_181 = arith.addi %mul3A_2, %add3A_180 : i32
        %mul3A_182 = arith.constant 2 : i32
        %mul3A_183 = arith.muli %mul3A_182, %add3A_181 : i32
        %dma_start3A_184 = arith.constant 0 : i32
        %dma_start3A_185 = tpu.memref_slice %arg3[%mul3A_183, %dma_start3A_184] : memref<5120x128xi32, #tpu.memory_space<hbm>> -> memref<2x128xi32, #tpu.memory_space<hbm>>
        %dma_start3A_186 = arith.constant 0 : i32
        %dma_start3A_187 = tpu.memref_slice %arg3[%mul3A_183, %dma_start3A_186] : memref<5120x128xi32, #tpu.memory_space<hbm>> -> memref<2x128xi32, #tpu.memory_space<hbm>>
        tpu.enqueue_dma source(%dma_start3A_187 : memref<2x128xi32, #tpu.memory_space<hbm>>) target(%arg6 : memref<2x128xi32, #tpu.memory_space<vmem>>) target_semaphore(%arg13 : memref<!tpu.dma_semaphore, #tpu.memory_space<semaphore_mem>>)
      } else {
      }
      %add3A_95 = arith.constant 2 : i32
      %add3A_96 = arith.addi %mul3A_67, %add3A_95 : i32
      %add3A_97 = arith.addi %mul3A_2, %add3A_96 : i32
      %mul3A_98 = arith.constant 2 : i32
      %mul3A_99 = arith.muli %mul3A_98, %add3A_97 : i32
      %dma_wait3A_100 = arith.constant 0 : i32
      %dma_wait3A_101 = tpu.memref_slice %arg3[%mul3A_99, %dma_wait3A_100] : memref<5120x128xi32, #tpu.memory_space<hbm>> -> memref<2x128xi32, #tpu.memory_space<hbm>>
      %dma_wait3A_102 = arith.constant 0 : i32
      %dma_wait3A_103 = tpu.memref_slice %arg3[%mul3A_99, %dma_wait3A_102] : memref<5120x128xi32, #tpu.memory_space<hbm>> -> memref<2x128xi32, #tpu.memory_space<hbm>>
      tpu.wait_dma2 semaphore(%arg15 : memref<!tpu.dma_semaphore, #tpu.memory_space<semaphore_mem>>) src(%dma_wait3A_103 : memref<2x128xi32, #tpu.memory_space<hbm>>) dst(%arg8 : memref<2x128xi32, #tpu.memory_space<vmem>>)
      %dma_start3A_104 = arith.constant 0 : i32
      %dma_start3A_105 = arith.constant 0 : i32
      %dma_start3A_106 = tpu.memref_slice %arg8[%dma_start3A_104, %dma_start3A_105] : memref<2x128xi32, #tpu.memory_space<vmem>> -> memref<1x128xi32, #tpu.memory_space<vmem>>
      %dma_start3A_107 = tpu.memref_squeeze %dma_start3A_106 : memref<1x128xi32, #tpu.memory_space<vmem>> -> memref<128xi32, #tpu.memory_space<vmem>>
      %dma_start3A_108 = arith.constant 0 : i32
      %dma_start3A_109 = arith.constant 0 : i32
      %dma_start3A_110 = tpu.memref_slice %arg2[%dma_start3A_108, %dma_start3A_109] : memref<10240x128xf32, #tpu.memory_space<hbm>> -> memref<10240x128xf32, #tpu.memory_space<hbm>>
      tpu.enqueue_indirect_dma source(%dma_start3A_110 : memref<10240x128xf32, #tpu.memory_space<hbm>>) target(%arg10 : memref<128x128xf32, #tpu.memory_space<vmem>>) offsets(%dma_start3A_107 : memref<128xi32, #tpu.memory_space<vmem>>) semaphore(%arg17 : memref<!tpu.dma_semaphore, #tpu.memory_space<semaphore_mem>>)
      %dma_wait3A_111 = arith.constant 0 : i32
      %dma_wait3A_112 = arith.constant 0 : i32
      %dma_wait3A_113 = tpu.memref_slice %arg7[%dma_wait3A_111, %dma_wait3A_112] : memref<2x128xi32, #tpu.memory_space<vmem>> -> memref<1x128xi32, #tpu.memory_space<vmem>>
      %dma_wait3A_114 = tpu.memref_squeeze %dma_wait3A_113 : memref<1x128xi32, #tpu.memory_space<vmem>> -> memref<128xi32, #tpu.memory_space<vmem>>
      %dma_wait3A_115 = arith.constant 0 : i32
      %dma_wait3A_116 = arith.constant 0 : i32
      %dma_wait3A_117 = tpu.memref_slice %arg2[%dma_wait3A_115, %dma_wait3A_116] : memref<10240x128xf32, #tpu.memory_space<hbm>> -> memref<10240x128xf32, #tpu.memory_space<hbm>>
      tpu.wait_indirect_dma semaphore(%arg18 : memref<!tpu.dma_semaphore, #tpu.memory_space<semaphore_mem>>) src(%dma_wait3A_117 : memref<10240x128xf32, #tpu.memory_space<hbm>>) dst(%arg11 : memref<128x128xf32, #tpu.memory_space<vmem>>)
      %run_scoped3A_118 = arith.constant 1 : i32
      "tpu.region"() ({
        %run_scoped3A_179 = tpu.sem_alloc : memref<!tpu.dma_semaphore, #tpu.memory_space<semaphore_mem>>
        %dma_start3A_180 = arith.constant 0 : i32
        %dma_start3A_181 = tpu.memref_slice %arg7[%run_scoped3A_118, %dma_start3A_180] : memref<2x128xi32, #tpu.memory_space<vmem>> -> memref<1x128xi32, #tpu.memory_space<vmem>>
        %dma_start3A_182 = tpu.memref_squeeze %dma_start3A_181 : memref<1x128xi32, #tpu.memory_space<vmem>> -> memref<128xi32, #tpu.memory_space<vmem>>
        %dma_start3A_183 = arith.constant 0 : i32
        %dma_start3A_184 = arith.constant 0 : i32
        %dma_start3A_185 = tpu.memref_slice %arg12[%dma_start3A_183, %dma_start3A_184] : memref<10240x128xf32, #tpu.memory_space<vmem_shared>> -> memref<10240x128xf32, #tpu.memory_space<vmem_shared>>
        tpu.enqueue_indirect_dma source(%arg11 : memref<128x128xf32, #tpu.memory_space<vmem>>) target(%dma_start3A_185 : memref<10240x128xf32, #tpu.memory_space<vmem_shared>>) offsets(%dma_start3A_182 : memref<128xi32, #tpu.memory_space<vmem>>) semaphore(%run_scoped3A_179 : memref<!tpu.dma_semaphore, #tpu.memory_space<semaphore_mem>>) {add = true}
        %dma_wait3A_186 = arith.constant 0 : i32
        %dma_wait3A_187 = tpu.memref_slice %arg7[%run_scoped3A_118, %dma_wait3A_186] : memref<2x128xi32, #tpu.memory_space<vmem>> -> memref<1x128xi32, #tpu.memory_space<vmem>>
        %dma_wait3A_188 = tpu.memref_squeeze %dma_wait3A_187 : memref<1x128xi32, #tpu.memory_space<vmem>> -> memref<128xi32, #tpu.memory_space<vmem>>
        %dma_wait3A_189 = arith.constant 0 : i32
        %dma_wait3A_190 = arith.constant 0 : i32
        %dma_wait3A_191 = tpu.memref_slice %arg12[%dma_wait3A_189, %dma_wait3A_190] : memref<10240x128xf32, #tpu.memory_space<vmem_shared>> -> memref<10240x128xf32, #tpu.memory_space<vmem_shared>>
        tpu.wait_indirect_dma semaphore(%run_scoped3A_179 : memref<!tpu.dma_semaphore, #tpu.memory_space<semaphore_mem>>) src(%arg11 : memref<128x128xf32, #tpu.memory_space<vmem>>) dst(%dma_wait3A_191 : memref<10240x128xf32, #tpu.memory_space<vmem_shared>>)
        tpu.yield
      }) : () -> ()
      %add3A_119 = arith.constant 5 : i32
      %add3A_120 = arith.addi %mul3A_67, %add3A_119 : i32
      %lt3A_121 = arith.constant 80 : i32
      %lt3A_122 = arith.cmpi slt, %add3A_120, %lt3A_121 : i32
      %convert_element_type3A_123 = arith.extui %lt3A_122 : i1 to i32
      %cond3A_124 = arith.constant 0 : i32
      %cond3A_125 = arith.cmpi ne, %convert_element_type3A_123, %cond3A_124 : i32
      scf.if %cond3A_125 {
        %add3A_179 = arith.constant 5 : i32
        %add3A_180 = arith.addi %mul3A_67, %add3A_179 : i32
        %add3A_181 = arith.addi %mul3A_2, %add3A_180 : i32
        %mul3A_182 = arith.constant 2 : i32
        %mul3A_183 = arith.muli %mul3A_182, %add3A_181 : i32
        %dma_start3A_184 = arith.constant 0 : i32
        %dma_start3A_185 = tpu.memref_slice %arg3[%mul3A_183, %dma_start3A_184] : memref<5120x128xi32, #tpu.memory_space<hbm>> -> memref<2x128xi32, #tpu.memory_space<hbm>>
        %dma_start3A_186 = arith.constant 0 : i32
        %dma_start3A_187 = tpu.memref_slice %arg3[%mul3A_183, %dma_start3A_186] : memref<5120x128xi32, #tpu.memory_space<hbm>> -> memref<2x128xi32, #tpu.memory_space<hbm>>
        tpu.enqueue_dma source(%dma_start3A_187 : memref<2x128xi32, #tpu.memory_space<hbm>>) target(%arg7 : memref<2x128xi32, #tpu.memory_space<vmem>>) target_semaphore(%arg14 : memref<!tpu.dma_semaphore, #tpu.memory_space<semaphore_mem>>)
      } else {
      }
      %add3A_126 = arith.constant 3 : i32
      %add3A_127 = arith.addi %mul3A_67, %add3A_126 : i32
      %add3A_128 = arith.addi %mul3A_2, %add3A_127 : i32
      %mul3A_129 = arith.constant 2 : i32
      %mul3A_130 = arith.muli %mul3A_129, %add3A_128 : i32
      %dma_wait3A_131 = arith.constant 0 : i32
      %dma_wait3A_132 = tpu.memref_slice %arg3[%mul3A_130, %dma_wait3A_131] : memref<5120x128xi32, #tpu.memory_space<hbm>> -> memref<2x128xi32, #tpu.memory_space<hbm>>
      %dma_wait3A_133 = arith.constant 0 : i32
      %dma_wait3A_134 = tpu.memref_slice %arg3[%mul3A_130, %dma_wait3A_133] : memref<5120x128xi32, #tpu.memory_space<hbm>> -> memref<2x128xi32, #tpu.memory_space<hbm>>
      tpu.wait_dma2 semaphore(%arg16 : memref<!tpu.dma_semaphore, #tpu.memory_space<semaphore_mem>>) src(%dma_wait3A_134 : memref<2x128xi32, #tpu.memory_space<hbm>>) dst(%arg9 : memref<2x128xi32, #tpu.memory_space<vmem>>)
      %dma_start3A_135 = arith.constant 0 : i32
      %dma_start3A_136 = arith.constant 0 : i32
      %dma_start3A_137 = tpu.memref_slice %arg9[%dma_start3A_135, %dma_start3A_136] : memref<2x128xi32, #tpu.memory_space<vmem>> -> memref<1x128xi32, #tpu.memory_space<vmem>>
      %dma_start3A_138 = tpu.memref_squeeze %dma_start3A_137 : memref<1x128xi32, #tpu.memory_space<vmem>> -> memref<128xi32, #tpu.memory_space<vmem>>
      %dma_start3A_139 = arith.constant 0 : i32
      %dma_start3A_140 = arith.constant 0 : i32
      %dma_start3A_141 = tpu.memref_slice %arg2[%dma_start3A_139, %dma_start3A_140] : memref<10240x128xf32, #tpu.memory_space<hbm>> -> memref<10240x128xf32, #tpu.memory_space<hbm>>
      tpu.enqueue_indirect_dma source(%dma_start3A_141 : memref<10240x128xf32, #tpu.memory_space<hbm>>) target(%arg11 : memref<128x128xf32, #tpu.memory_space<vmem>>) offsets(%dma_start3A_138 : memref<128xi32, #tpu.memory_space<vmem>>) semaphore(%arg18 : memref<!tpu.dma_semaphore, #tpu.memory_space<semaphore_mem>>)
      %dma_wait3A_142 = arith.constant 0 : i32
      %dma_wait3A_143 = arith.constant 0 : i32
      %dma_wait3A_144 = tpu.memref_slice %arg8[%dma_wait3A_142, %dma_wait3A_143] : memref<2x128xi32, #tpu.memory_space<vmem>> -> memref<1x128xi32, #tpu.memory_space<vmem>>
      %dma_wait3A_145 = tpu.memref_squeeze %dma_wait3A_144 : memref<1x128xi32, #tpu.memory_space<vmem>> -> memref<128xi32, #tpu.memory_space<vmem>>
      %dma_wait3A_146 = arith.constant 0 : i32
      %dma_wait3A_147 = arith.constant 0 : i32
      %dma_wait3A_148 = tpu.memref_slice %arg2[%dma_wait3A_146, %dma_wait3A_147] : memref<10240x128xf32, #tpu.memory_space<hbm>> -> memref<10240x128xf32, #tpu.memory_space<hbm>>
      tpu.wait_indirect_dma semaphore(%arg17 : memref<!tpu.dma_semaphore, #tpu.memory_space<semaphore_mem>>) src(%dma_wait3A_148 : memref<10240x128xf32, #tpu.memory_space<hbm>>) dst(%arg10 : memref<128x128xf32, #tpu.memory_space<vmem>>)
      %run_scoped3A_149 = arith.constant 1 : i32
      "tpu.region"() ({
        %run_scoped3A_179 = tpu.sem_alloc : memref<!tpu.dma_semaphore, #tpu.memory_space<semaphore_mem>>
        %dma_start3A_180 = arith.constant 0 : i32
        %dma_start3A_181 = tpu.memref_slice %arg8[%run_scoped3A_149, %dma_start3A_180] : memref<2x128xi32, #tpu.memory_space<vmem>> -> memref<1x128xi32, #tpu.memory_space<vmem>>
        %dma_start3A_182 = tpu.memref_squeeze %dma_start3A_181 : memref<1x128xi32, #tpu.memory_space<vmem>> -> memref<128xi32, #tpu.memory_space<vmem>>
        %dma_start3A_183 = arith.constant 0 : i32
        %dma_start3A_184 = arith.constant 0 : i32
        %dma_start3A_185 = tpu.memref_slice %arg12[%dma_start3A_183, %dma_start3A_184] : memref<10240x128xf32, #tpu.memory_space<vmem_shared>> -> memref<10240x128xf32, #tpu.memory_space<vmem_shared>>
        tpu.enqueue_indirect_dma source(%arg10 : memref<128x128xf32, #tpu.memory_space<vmem>>) target(%dma_start3A_185 : memref<10240x128xf32, #tpu.memory_space<vmem_shared>>) offsets(%dma_start3A_182 : memref<128xi32, #tpu.memory_space<vmem>>) semaphore(%run_scoped3A_179 : memref<!tpu.dma_semaphore, #tpu.memory_space<semaphore_mem>>) {add = true}
        %dma_wait3A_186 = arith.constant 0 : i32
        %dma_wait3A_187 = tpu.memref_slice %arg8[%run_scoped3A_149, %dma_wait3A_186] : memref<2x128xi32, #tpu.memory_space<vmem>> -> memref<1x128xi32, #tpu.memory_space<vmem>>
        %dma_wait3A_188 = tpu.memref_squeeze %dma_wait3A_187 : memref<1x128xi32, #tpu.memory_space<vmem>> -> memref<128xi32, #tpu.memory_space<vmem>>
        %dma_wait3A_189 = arith.constant 0 : i32
        %dma_wait3A_190 = arith.constant 0 : i32
        %dma_wait3A_191 = tpu.memref_slice %arg12[%dma_wait3A_189, %dma_wait3A_190] : memref<10240x128xf32, #tpu.memory_space<vmem_shared>> -> memref<10240x128xf32, #tpu.memory_space<vmem_shared>>
        tpu.wait_indirect_dma semaphore(%run_scoped3A_179 : memref<!tpu.dma_semaphore, #tpu.memory_space<semaphore_mem>>) src(%arg10 : memref<128x128xf32, #tpu.memory_space<vmem>>) dst(%dma_wait3A_191 : memref<10240x128xf32, #tpu.memory_space<vmem_shared>>)
        tpu.yield
      }) : () -> ()
      %add3A_150 = arith.constant 6 : i32
      %add3A_151 = arith.addi %mul3A_67, %add3A_150 : i32
      %lt3A_152 = arith.constant 80 : i32
      %lt3A_153 = arith.cmpi slt, %add3A_151, %lt3A_152 : i32
      %convert_element_type3A_154 = arith.extui %lt3A_153 : i1 to i32
      %cond3A_155 = arith.constant 0 : i32
      %cond3A_156 = arith.cmpi ne, %convert_element_type3A_154, %cond3A_155 : i32
      scf.if %cond3A_156 {
        %add3A_179 = arith.constant 6 : i32
        %add3A_180 = arith.addi %mul3A_67, %add3A_179 : i32
        %add3A_181 = arith.addi %mul3A_2, %add3A_180 : i32
        %mul3A_182 = arith.constant 2 : i32
        %mul3A_183 = arith.muli %mul3A_182, %add3A_181 : i32
        %dma_start3A_184 = arith.constant 0 : i32
        %dma_start3A_185 = tpu.memref_slice %arg3[%mul3A_183, %dma_start3A_184] : memref<5120x128xi32, #tpu.memory_space<hbm>> -> memref<2x128xi32, #tpu.memory_space<hbm>>
        %dma_start3A_186 = arith.constant 0 : i32
        %dma_start3A_187 = tpu.memref_slice %arg3[%mul3A_183, %dma_start3A_186] : memref<5120x128xi32, #tpu.memory_space<hbm>> -> memref<2x128xi32, #tpu.memory_space<hbm>>
        tpu.enqueue_dma source(%dma_start3A_187 : memref<2x128xi32, #tpu.memory_space<hbm>>) target(%arg8 : memref<2x128xi32, #tpu.memory_space<vmem>>) target_semaphore(%arg15 : memref<!tpu.dma_semaphore, #tpu.memory_space<semaphore_mem>>)
      } else {
      }
      %add3A_157 = arith.constant 4 : i32
      %add3A_158 = arith.addi %mul3A_67, %add3A_157 : i32
      %lt3A_159 = arith.constant 80 : i32
      %lt3A_160 = arith.cmpi slt, %add3A_158, %lt3A_159 : i32
      %convert_element_type3A_161 = arith.extui %lt3A_160 : i1 to i32
      %cond3A_162 = arith.constant 0 : i32
      %cond3A_163 = arith.cmpi ne, %convert_element_type3A_161, %cond3A_162 : i32
      scf.if %cond3A_163 {
        %add3A_179 = arith.constant 4 : i32
        %add3A_180 = arith.addi %mul3A_67, %add3A_179 : i32
        %add3A_181 = arith.addi %mul3A_2, %add3A_180 : i32
        %mul3A_182 = arith.constant 2 : i32
        %mul3A_183 = arith.muli %mul3A_182, %add3A_181 : i32
        %dma_wait3A_184 = arith.constant 0 : i32
        %dma_wait3A_185 = tpu.memref_slice %arg3[%mul3A_183, %dma_wait3A_184] : memref<5120x128xi32, #tpu.memory_space<hbm>> -> memref<2x128xi32, #tpu.memory_space<hbm>>
        %dma_wait3A_186 = arith.constant 0 : i32
        %dma_wait3A_187 = tpu.memref_slice %arg3[%mul3A_183, %dma_wait3A_186] : memref<5120x128xi32, #tpu.memory_space<hbm>> -> memref<2x128xi32, #tpu.memory_space<hbm>>
        tpu.wait_dma2 semaphore(%arg13 : memref<!tpu.dma_semaphore, #tpu.memory_space<semaphore_mem>>) src(%dma_wait3A_187 : memref<2x128xi32, #tpu.memory_space<hbm>>) dst(%arg6 : memref<2x128xi32, #tpu.memory_space<vmem>>)
        %dma_start3A_188 = arith.constant 0 : i32
        %dma_start3A_189 = arith.constant 0 : i32
        %dma_start3A_190 = tpu.memref_slice %arg6[%dma_start3A_188, %dma_start3A_189] : memref<2x128xi32, #tpu.memory_space<vmem>> -> memref<1x128xi32, #tpu.memory_space<vmem>>
        %dma_start3A_191 = tpu.memref_squeeze %dma_start3A_190 : memref<1x128xi32, #tpu.memory_space<vmem>> -> memref<128xi32, #tpu.memory_space<vmem>>
        %dma_start3A_192 = arith.constant 0 : i32
        %dma_start3A_193 = arith.constant 0 : i32
        %dma_start3A_194 = tpu.memref_slice %arg2[%dma_start3A_192, %dma_start3A_193] : memref<10240x128xf32, #tpu.memory_space<hbm>> -> memref<10240x128xf32, #tpu.memory_space<hbm>>
        tpu.enqueue_indirect_dma source(%dma_start3A_194 : memref<10240x128xf32, #tpu.memory_space<hbm>>) target(%arg10 : memref<128x128xf32, #tpu.memory_space<vmem>>) offsets(%dma_start3A_191 : memref<128xi32, #tpu.memory_space<vmem>>) semaphore(%arg17 : memref<!tpu.dma_semaphore, #tpu.memory_space<semaphore_mem>>)
      } else {
      }
      %dma_wait3A_164 = arith.constant 0 : i32
      %dma_wait3A_165 = arith.constant 0 : i32
      %dma_wait3A_166 = tpu.memref_slice %arg9[%dma_wait3A_164, %dma_wait3A_165] : memref<2x128xi32, #tpu.memory_space<vmem>> -> memref<1x128xi32, #tpu.memory_space<vmem>>
      %dma_wait3A_167 = tpu.memref_squeeze %dma_wait3A_166 : memref<1x128xi32, #tpu.memory_space<vmem>> -> memref<128xi32, #tpu.memory_space<vmem>>
      %dma_wait3A_168 = arith.constant 0 : i32
      %dma_wait3A_169 = arith.constant 0 : i32
      %dma_wait3A_170 = tpu.memref_slice %arg2[%dma_wait3A_168, %dma_wait3A_169] : memref<10240x128xf32, #tpu.memory_space<hbm>> -> memref<10240x128xf32, #tpu.memory_space<hbm>>
      tpu.wait_indirect_dma semaphore(%arg18 : memref<!tpu.dma_semaphore, #tpu.memory_space<semaphore_mem>>) src(%dma_wait3A_170 : memref<10240x128xf32, #tpu.memory_space<hbm>>) dst(%arg11 : memref<128x128xf32, #tpu.memory_space<vmem>>)
      %run_scoped3A_171 = arith.constant 1 : i32
      "tpu.region"() ({
        %run_scoped3A_179 = tpu.sem_alloc : memref<!tpu.dma_semaphore, #tpu.memory_space<semaphore_mem>>
        %dma_start3A_180 = arith.constant 0 : i32
        %dma_start3A_181 = tpu.memref_slice %arg9[%run_scoped3A_171, %dma_start3A_180] : memref<2x128xi32, #tpu.memory_space<vmem>> -> memref<1x128xi32, #tpu.memory_space<vmem>>
        %dma_start3A_182 = tpu.memref_squeeze %dma_start3A_181 : memref<1x128xi32, #tpu.memory_space<vmem>> -> memref<128xi32, #tpu.memory_space<vmem>>
        %dma_start3A_183 = arith.constant 0 : i32
        %dma_start3A_184 = arith.constant 0 : i32
        %dma_start3A_185 = tpu.memref_slice %arg12[%dma_start3A_183, %dma_start3A_184] : memref<10240x128xf32, #tpu.memory_space<vmem_shared>> -> memref<10240x128xf32, #tpu.memory_space<vmem_shared>>
        tpu.enqueue_indirect_dma source(%arg11 : memref<128x128xf32, #tpu.memory_space<vmem>>) target(%dma_start3A_185 : memref<10240x128xf32, #tpu.memory_space<vmem_shared>>) offsets(%dma_start3A_182 : memref<128xi32, #tpu.memory_space<vmem>>) semaphore(%run_scoped3A_179 : memref<!tpu.dma_semaphore, #tpu.memory_space<semaphore_mem>>) {add = true}
        %dma_wait3A_186 = arith.constant 0 : i32
        %dma_wait3A_187 = tpu.memref_slice %arg9[%run_scoped3A_171, %dma_wait3A_186] : memref<2x128xi32, #tpu.memory_space<vmem>> -> memref<1x128xi32, #tpu.memory_space<vmem>>
        %dma_wait3A_188 = tpu.memref_squeeze %dma_wait3A_187 : memref<1x128xi32, #tpu.memory_space<vmem>> -> memref<128xi32, #tpu.memory_space<vmem>>
        %dma_wait3A_189 = arith.constant 0 : i32
        %dma_wait3A_190 = arith.constant 0 : i32
        %dma_wait3A_191 = tpu.memref_slice %arg12[%dma_wait3A_189, %dma_wait3A_190] : memref<10240x128xf32, #tpu.memory_space<vmem_shared>> -> memref<10240x128xf32, #tpu.memory_space<vmem_shared>>
        tpu.wait_indirect_dma semaphore(%run_scoped3A_179 : memref<!tpu.dma_semaphore, #tpu.memory_space<semaphore_mem>>) src(%arg11 : memref<128x128xf32, #tpu.memory_space<vmem>>) dst(%dma_wait3A_191 : memref<10240x128xf32, #tpu.memory_space<vmem_shared>>)
        tpu.yield
      }) : () -> ()
      %add3A_172 = arith.constant 7 : i32
      %add3A_173 = arith.addi %mul3A_67, %add3A_172 : i32
      %lt3A_174 = arith.constant 80 : i32
      %lt3A_175 = arith.cmpi slt, %add3A_173, %lt3A_174 : i32
      %convert_element_type3A_176 = arith.extui %lt3A_175 : i1 to i32
      %cond3A_177 = arith.constant 0 : i32
      %cond3A_178 = arith.cmpi ne, %convert_element_type3A_176, %cond3A_177 : i32
      scf.if %cond3A_178 {
        %add3A_179 = arith.constant 7 : i32
        %add3A_180 = arith.addi %mul3A_67, %add3A_179 : i32
        %add3A_181 = arith.addi %mul3A_2, %add3A_180 : i32
        %mul3A_182 = arith.constant 2 : i32
        %mul3A_183 = arith.muli %mul3A_182, %add3A_181 : i32
        %dma_start3A_184 = arith.constant 0 : i32
        %dma_start3A_185 = tpu.memref_slice %arg3[%mul3A_183, %dma_start3A_184] : memref<5120x128xi32, #tpu.memory_space<hbm>> -> memref<2x128xi32, #tpu.memory_space<hbm>>
        %dma_start3A_186 = arith.constant 0 : i32
        %dma_start3A_187 = tpu.memref_slice %arg3[%mul3A_183, %dma_start3A_186] : memref<5120x128xi32, #tpu.memory_space<hbm>> -> memref<2x128xi32, #tpu.memory_space<hbm>>
        tpu.enqueue_dma source(%dma_start3A_187 : memref<2x128xi32, #tpu.memory_space<hbm>>) target(%arg9 : memref<2x128xi32, #tpu.memory_space<vmem>>) target_semaphore(%arg16 : memref<!tpu.dma_semaphore, #tpu.memory_space<semaphore_mem>>)
      } else {
      }
    }
    %scan3A_55 = arith.constant 20 : i32
    %barrier3A_56 = arith.constant 0 : index
    tpu.barrier barrier_id(%barrier3A_56)
    %mul3A_57 = arith.constant 640 : i32
    %mul3A_58 = arith.muli %arg1, %mul3A_57 : i32
    %mul3A_59 = arith.constant 640 : i32
    %mul3A_60 = arith.muli %arg1, %mul3A_59 : i32
    "tpu.region"() ({
      %run_scoped3A = tpu.sem_alloc : memref<!tpu.dma_semaphore, #tpu.memory_space<semaphore_mem>>
      %dma_start3A_61 = arith.constant 0 : i32
      %dma_start3A_62 = tpu.memref_slice %arg5[%arg0, %mul3A_60, %dma_start3A_61] : memref<2x10240x128xf32, #tpu.memory_space<hbm>> -> memref<1x640x128xf32, #tpu.memory_space<hbm>>
      %dma_start3A_63 = tpu.memref_squeeze %dma_start3A_62 : memref<1x640x128xf32, #tpu.memory_space<hbm>> -> memref<640x128xf32, #tpu.memory_space<hbm>>
      %dma_start3A_64 = arith.constant 0 : i32
      %dma_start3A_65 = tpu.memref_slice %arg12[%mul3A_58, %dma_start3A_64] : memref<10240x128xf32, #tpu.memory_space<vmem_shared>> -> memref<640x128xf32, #tpu.memory_space<vmem_shared>>
      tpu.enqueue_dma source(%dma_start3A_65 : memref<640x128xf32, #tpu.memory_space<vmem_shared>>) target(%dma_start3A_63 : memref<640x128xf32, #tpu.memory_space<hbm>>) target_semaphore(%run_scoped3A : memref<!tpu.dma_semaphore, #tpu.memory_space<semaphore_mem>>)
      %dma_wait3A_66 = arith.constant 0 : i32
      %dma_wait3A_67 = tpu.memref_slice %arg5[%arg0, %mul3A_60, %dma_wait3A_66] : memref<2x10240x128xf32, #tpu.memory_space<hbm>> -> memref<1x640x128xf32, #tpu.memory_space<hbm>>
      %dma_wait3A_68 = tpu.memref_squeeze %dma_wait3A_67 : memref<1x640x128xf32, #tpu.memory_space<hbm>> -> memref<640x128xf32, #tpu.memory_space<hbm>>
      %dma_wait3A_69 = arith.constant 0 : i32
      %dma_wait3A_70 = tpu.memref_slice %arg12[%mul3A_58, %dma_wait3A_69] : memref<10240x128xf32, #tpu.memory_space<vmem_shared>> -> memref<640x128xf32, #tpu.memory_space<vmem_shared>>
      tpu.wait_dma2 semaphore(%run_scoped3A : memref<!tpu.dma_semaphore, #tpu.memory_space<semaphore_mem>>) src(%dma_wait3A_70 : memref<640x128xf32, #tpu.memory_space<vmem_shared>>) dst(%dma_wait3A_68 : memref<640x128xf32, #tpu.memory_space<hbm>>)
      tpu.yield
    }) : () -> ()
    return
  }
}

module attributes {stable_mosaic.version = 14 : i64} {
  func.func @_mm_body(%arg0: i32, %arg1: memref<1024x128xf32, #tpu.memory_space<vmem>>, %arg2: memref<128x128xf32, #tpu.memory_space<vmem>>, %arg3: memref<128x128xf32, #tpu.memory_space<vmem>>, %arg4: memref<128x128xf32, #tpu.memory_space<vmem>>, %arg5: memref<1x128xf32, #tpu.memory_space<vmem>>, %arg6: memref<1x128xf32, #tpu.memory_space<vmem>>, %arg7: memref<1024x128xf32, #tpu.memory_space<vmem>>, %arg8: memref<128x128xf32, #tpu.memory_space<vmem>>, %arg9: memref<1x128xf32, #tpu.memory_space<vmem>>) attributes {dimension_semantics = [#tpu.dimension_semantics<arbitrary>], iteration_bounds = array<i64: 10>, scalar_prefetch = 0 : i64, scratch_operands = 2 : i64, tpu.core_type = #tpu.core_type<tc>, window_params = [{transform_indices = @transform_0, window_bounds = array<i64: 1024, 128>}, {pipeline_mode = #tpu.pipeline_mode<synchronous>, transform_indices = @transform_1, window_bounds = array<i64: 128, 128>}, {pipeline_mode = #tpu.pipeline_mode<synchronous>, transform_indices = @transform_2, window_bounds = array<i64: 128, 128>}, {pipeline_mode = #tpu.pipeline_mode<synchronous>, transform_indices = @transform_3, window_bounds = array<i64: 128, 128>}, {pipeline_mode = #tpu.pipeline_mode<synchronous>, transform_indices = @transform_4, window_bounds = array<i64: 1, 128>}, {pipeline_mode = #tpu.pipeline_mode<synchronous>, transform_indices = @transform_5, window_bounds = array<i64: 1, 128>}, {transform_indices = @transform_6, window_bounds = array<i64: 1024, 128>}]} {
    %eq3A = arith.constant 0 : i32
    %eq3A_0 = arith.cmpi eq, %arg0, %eq3A : i32
    %convert_element_type3A = arith.extui %eq3A_0 : i1 to i32
    %cond3A = arith.constant 0 : i32
    %cond3A_1 = arith.cmpi ne, %convert_element_type3A, %cond3A : i32
    scf.if %cond3A_1 {
      %get3A_27 = arith.constant 0 : index
      %get3A_28 = arith.constant 0 : index
      %get3A_29 = vector.load %arg2[%get3A_27, %get3A_28] : memref<128x128xf32, #tpu.memory_space<vmem>>, vector<128x128xf32>
      %get3A_30 = arith.constant 0 : index
      %get3A_31 = arith.constant 0 : index
      %get3A_32 = vector.load %arg3[%get3A_30, %get3A_31] : memref<128x128xf32, #tpu.memory_space<vmem>>, vector<128x128xf32>
      %convert_element_type3A_33 = arith.truncf %get3A_29 : vector<128x128xf32> to vector<128x128xbf16>
      %convert_element_type3A_34 = arith.extf %convert_element_type3A_33 : vector<128x128xbf16> to vector<128x128xf32>
      %sub3A_35 = arith.subf %get3A_29, %convert_element_type3A_34 : vector<128x128xf32>
      %convert_element_type3A_36 = arith.truncf %sub3A_35 : vector<128x128xf32> to vector<128x128xbf16>
      %convert_element_type3A_37 = arith.truncf %get3A_32 : vector<128x128xf32> to vector<128x128xbf16>
      %convert_element_type3A_38 = arith.extf %convert_element_type3A_37 : vector<128x128xbf16> to vector<128x128xf32>
      %sub3A_39 = arith.subf %get3A_32, %convert_element_type3A_38 : vector<128x128xf32>
      %convert_element_type3A_40 = arith.truncf %sub3A_39 : vector<128x128xf32> to vector<128x128xbf16>
      %dot_general3A_41 = arith.constant dense<0.000000e+00> : vector<128x128xf32>
      %dot_general3A_42 = tpu.matmul %convert_element_type3A_33, %convert_element_type3A_37, %dot_general3A_41 {dimension_numbers = #tpu.dot_dimension_numbers<[1], [0], [0], [1], [0, 0, 1, 1], [], []>, transpose_lhs_hint = false} : vector<128x128xbf16>, vector<128x128xbf16>, vector<128x128xf32> -> vector<128x128xf32>
      %dot_general3A_43 = arith.constant dense<0.000000e+00> : vector<128x128xf32>
      %dot_general3A_44 = tpu.matmul %convert_element_type3A_33, %convert_element_type3A_40, %dot_general3A_43 {dimension_numbers = #tpu.dot_dimension_numbers<[1], [0], [0], [1], [0, 0, 1, 1], [], []>, transpose_lhs_hint = false} : vector<128x128xbf16>, vector<128x128xbf16>, vector<128x128xf32> -> vector<128x128xf32>
      %dot_general3A_45 = arith.constant dense<0.000000e+00> : vector<128x128xf32>
      %dot_general3A_46 = tpu.matmul %convert_element_type3A_36, %convert_element_type3A_37, %dot_general3A_45 {dimension_numbers = #tpu.dot_dimension_numbers<[1], [0], [0], [1], [0, 0, 1, 1], [], []>, transpose_lhs_hint = false} : vector<128x128xbf16>, vector<128x128xbf16>, vector<128x128xf32> -> vector<128x128xf32>
      %add3A_47 = arith.addf %dot_general3A_42, %dot_general3A_44 : vector<128x128xf32>
      %add3A_48 = arith.addf %add3A_47, %dot_general3A_46 : vector<128x128xf32>
      %get3A_49 = arith.constant 0 : index
      %get3A_50 = arith.constant 0 : index
      %get3A_51 = vector.load %arg4[%get3A_49, %get3A_50] : memref<128x128xf32, #tpu.memory_space<vmem>>, vector<128x128xf32>
      %convert_element_type3A_52 = arith.truncf %add3A_48 : vector<128x128xf32> to vector<128x128xbf16>
      %convert_element_type3A_53 = arith.extf %convert_element_type3A_52 : vector<128x128xbf16> to vector<128x128xf32>
      %sub3A_54 = arith.subf %add3A_48, %convert_element_type3A_53 : vector<128x128xf32>
      %convert_element_type3A_55 = arith.truncf %sub3A_54 : vector<128x128xf32> to vector<128x128xbf16>
      %convert_element_type3A_56 = arith.truncf %get3A_51 : vector<128x128xf32> to vector<128x128xbf16>
      %convert_element_type3A_57 = arith.extf %convert_element_type3A_56 : vector<128x128xbf16> to vector<128x128xf32>
      %sub3A_58 = arith.subf %get3A_51, %convert_element_type3A_57 : vector<128x128xf32>
      %convert_element_type3A_59 = arith.truncf %sub3A_58 : vector<128x128xf32> to vector<128x128xbf16>
      %dot_general3A_60 = arith.constant dense<0.000000e+00> : vector<128x128xf32>
      %dot_general3A_61 = tpu.matmul %convert_element_type3A_52, %convert_element_type3A_56, %dot_general3A_60 {dimension_numbers = #tpu.dot_dimension_numbers<[1], [0], [0], [1], [0, 0, 1, 1], [], []>, transpose_lhs_hint = false} : vector<128x128xbf16>, vector<128x128xbf16>, vector<128x128xf32> -> vector<128x128xf32>
      %dot_general3A_62 = arith.constant dense<0.000000e+00> : vector<128x128xf32>
      %dot_general3A_63 = tpu.matmul %convert_element_type3A_52, %convert_element_type3A_59, %dot_general3A_62 {dimension_numbers = #tpu.dot_dimension_numbers<[1], [0], [0], [1], [0, 0, 1, 1], [], []>, transpose_lhs_hint = false} : vector<128x128xbf16>, vector<128x128xbf16>, vector<128x128xf32> -> vector<128x128xf32>
      %dot_general3A_64 = arith.constant dense<0.000000e+00> : vector<128x128xf32>
      %dot_general3A_65 = tpu.matmul %convert_element_type3A_55, %convert_element_type3A_56, %dot_general3A_64 {dimension_numbers = #tpu.dot_dimension_numbers<[1], [0], [0], [1], [0, 0, 1, 1], [], []>, transpose_lhs_hint = false} : vector<128x128xbf16>, vector<128x128xbf16>, vector<128x128xf32> -> vector<128x128xf32>
      %add3A_66 = arith.addf %dot_general3A_61, %dot_general3A_63 : vector<128x128xf32>
      %add3A_67 = arith.addf %add3A_66, %dot_general3A_65 : vector<128x128xf32>
      %swap3A_68 = arith.constant 0 : index
      %swap3A_69 = arith.constant 0 : index
      %swap3A_70 = vector.load %arg8[%swap3A_68, %swap3A_69] : memref<128x128xf32, #tpu.memory_space<vmem>>, vector<128x128xf32>
      tpu.vector_store %arg8[%swap3A_68, %swap3A_69], %add3A_67 {strides = array<i32>} : memref<128x128xf32, #tpu.memory_space<vmem>>, vector<128x128xf32>,
      %get3A_71 = arith.constant 0 : index
      %get3A_72 = arith.constant 0 : index
      %get3A_73 = vector.load %arg5[%get3A_71, %get3A_72] : memref<1x128xf32, #tpu.memory_space<vmem>>, vector<1x128xf32>
      %get3A_74 = arith.constant 0 : index
      %get3A_75 = arith.constant 0 : index
      %get3A_76 = vector.load %arg3[%get3A_74, %get3A_75] : memref<128x128xf32, #tpu.memory_space<vmem>>, vector<128x128xf32>
      %convert_element_type3A_77 = arith.truncf %get3A_73 : vector<1x128xf32> to vector<1x128xbf16>
      %convert_element_type3A_78 = arith.extf %convert_element_type3A_77 : vector<1x128xbf16> to vector<1x128xf32>
      %sub3A_79 = arith.subf %get3A_73, %convert_element_type3A_78 : vector<1x128xf32>
      %convert_element_type3A_80 = arith.truncf %sub3A_79 : vector<1x128xf32> to vector<1x128xbf16>
      %convert_element_type3A_81 = arith.truncf %get3A_76 : vector<128x128xf32> to vector<128x128xbf16>
      %convert_element_type3A_82 = arith.extf %convert_element_type3A_81 : vector<128x128xbf16> to vector<128x128xf32>
      %sub3A_83 = arith.subf %get3A_76, %convert_element_type3A_82 : vector<128x128xf32>
      %convert_element_type3A_84 = arith.truncf %sub3A_83 : vector<128x128xf32> to vector<128x128xbf16>
      %dot_general3A_85 = arith.constant dense<0.000000e+00> : vector<1x128xf32>
      %dot_general3A_86 = tpu.matmul %convert_element_type3A_77, %convert_element_type3A_81, %dot_general3A_85 {dimension_numbers = #tpu.dot_dimension_numbers<[1], [0], [0], [1], [0, 0, 1, 1], [], []>, transpose_lhs_hint = false} : vector<1x128xbf16>, vector<128x128xbf16>, vector<1x128xf32> -> vector<1x128xf32>
      %dot_general3A_87 = arith.constant dense<0.000000e+00> : vector<1x128xf32>
      %dot_general3A_88 = tpu.matmul %convert_element_type3A_77, %convert_element_type3A_84, %dot_general3A_87 {dimension_numbers = #tpu.dot_dimension_numbers<[1], [0], [0], [1], [0, 0, 1, 1], [], []>, transpose_lhs_hint = false} : vector<1x128xbf16>, vector<128x128xbf16>, vector<1x128xf32> -> vector<1x128xf32>
      %dot_general3A_89 = arith.constant dense<0.000000e+00> : vector<1x128xf32>
      %dot_general3A_90 = tpu.matmul %convert_element_type3A_80, %convert_element_type3A_81, %dot_general3A_89 {dimension_numbers = #tpu.dot_dimension_numbers<[1], [0], [0], [1], [0, 0, 1, 1], [], []>, transpose_lhs_hint = false} : vector<1x128xbf16>, vector<128x128xbf16>, vector<1x128xf32> -> vector<1x128xf32>
      %add3A_91 = arith.addf %dot_general3A_86, %dot_general3A_88 : vector<1x128xf32>
      %add3A_92 = arith.addf %add3A_91, %dot_general3A_90 : vector<1x128xf32>
      %get3A_93 = arith.constant 0 : index
      %get3A_94 = arith.constant 0 : index
      %get3A_95 = vector.load %arg6[%get3A_93, %get3A_94] : memref<1x128xf32, #tpu.memory_space<vmem>>, vector<1x128xf32>
      %add3A_96 = arith.addf %add3A_92, %get3A_95 : vector<1x128xf32>
      %get3A_97 = arith.constant 0 : index
      %get3A_98 = arith.constant 0 : index
      %get3A_99 = vector.load %arg4[%get3A_97, %get3A_98] : memref<128x128xf32, #tpu.memory_space<vmem>>, vector<128x128xf32>
      %convert_element_type3A_100 = arith.truncf %add3A_96 : vector<1x128xf32> to vector<1x128xbf16>
      %convert_element_type3A_101 = arith.extf %convert_element_type3A_100 : vector<1x128xbf16> to vector<1x128xf32>
      %sub3A_102 = arith.subf %add3A_96, %convert_element_type3A_101 : vector<1x128xf32>
      %convert_element_type3A_103 = arith.truncf %sub3A_102 : vector<1x128xf32> to vector<1x128xbf16>
      %convert_element_type3A_104 = arith.truncf %get3A_99 : vector<128x128xf32> to vector<128x128xbf16>
      %convert_element_type3A_105 = arith.extf %convert_element_type3A_104 : vector<128x128xbf16> to vector<128x128xf32>
      %sub3A_106 = arith.subf %get3A_99, %convert_element_type3A_105 : vector<128x128xf32>
      %convert_element_type3A_107 = arith.truncf %sub3A_106 : vector<128x128xf32> to vector<128x128xbf16>
      %dot_general3A_108 = arith.constant dense<0.000000e+00> : vector<1x128xf32>
      %dot_general3A_109 = tpu.matmul %convert_element_type3A_100, %convert_element_type3A_104, %dot_general3A_108 {dimension_numbers = #tpu.dot_dimension_numbers<[1], [0], [0], [1], [0, 0, 1, 1], [], []>, transpose_lhs_hint = false} : vector<1x128xbf16>, vector<128x128xbf16>, vector<1x128xf32> -> vector<1x128xf32>
      %dot_general3A_110 = arith.constant dense<0.000000e+00> : vector<1x128xf32>
      %dot_general3A_111 = tpu.matmul %convert_element_type3A_100, %convert_element_type3A_107, %dot_general3A_110 {dimension_numbers = #tpu.dot_dimension_numbers<[1], [0], [0], [1], [0, 0, 1, 1], [], []>, transpose_lhs_hint = false} : vector<1x128xbf16>, vector<128x128xbf16>, vector<1x128xf32> -> vector<1x128xf32>
      %dot_general3A_112 = arith.constant dense<0.000000e+00> : vector<1x128xf32>
      %dot_general3A_113 = tpu.matmul %convert_element_type3A_103, %convert_element_type3A_104, %dot_general3A_112 {dimension_numbers = #tpu.dot_dimension_numbers<[1], [0], [0], [1], [0, 0, 1, 1], [], []>, transpose_lhs_hint = false} : vector<1x128xbf16>, vector<128x128xbf16>, vector<1x128xf32> -> vector<1x128xf32>
      %add3A_114 = arith.addf %dot_general3A_109, %dot_general3A_111 : vector<1x128xf32>
      %add3A_115 = arith.addf %add3A_114, %dot_general3A_113 : vector<1x128xf32>
      %swap3A_116 = arith.constant 0 : index
      %swap3A_117 = arith.constant 0 : index
      %swap3A_118 = vector.load %arg9[%swap3A_116, %swap3A_117] : memref<1x128xf32, #tpu.memory_space<vmem>>, vector<1x128xf32>
      tpu.vector_store %arg9[%swap3A_116, %swap3A_117], %add3A_115 {strides = array<i32>} : memref<1x128xf32, #tpu.memory_space<vmem>>, vector<1x128xf32>,
    } else {
    }
    %get3A = arith.constant 0 : index
    %get3A_2 = arith.constant 0 : index
    %get3A_3 = vector.load %arg1[%get3A, %get3A_2] : memref<1024x128xf32, #tpu.memory_space<vmem>>, vector<1024x128xf32>
    %get3A_4 = arith.constant 0 : index
    %get3A_5 = arith.constant 0 : index
    %get3A_6 = vector.load %arg8[%get3A_4, %get3A_5] : memref<128x128xf32, #tpu.memory_space<vmem>>, vector<128x128xf32>
    %convert_element_type3A_7 = arith.truncf %get3A_3 : vector<1024x128xf32> to vector<1024x128xbf16>
    %convert_element_type3A_8 = arith.extf %convert_element_type3A_7 : vector<1024x128xbf16> to vector<1024x128xf32>
    %sub3A = arith.subf %get3A_3, %convert_element_type3A_8 : vector<1024x128xf32>
    %convert_element_type3A_9 = arith.truncf %sub3A : vector<1024x128xf32> to vector<1024x128xbf16>
    %convert_element_type3A_10 = arith.truncf %get3A_6 : vector<128x128xf32> to vector<128x128xbf16>
    %convert_element_type3A_11 = arith.extf %convert_element_type3A_10 : vector<128x128xbf16> to vector<128x128xf32>
    %sub3A_12 = arith.subf %get3A_6, %convert_element_type3A_11 : vector<128x128xf32>
    %convert_element_type3A_13 = arith.truncf %sub3A_12 : vector<128x128xf32> to vector<128x128xbf16>
    %dot_general3A = arith.constant dense<0.000000e+00> : vector<1024x128xf32>
    %dot_general3A_14 = tpu.matmul %convert_element_type3A_7, %convert_element_type3A_10, %dot_general3A {dimension_numbers = #tpu.dot_dimension_numbers<[1], [0], [0], [1], [0, 0, 1, 1], [], []>, transpose_lhs_hint = false} : vector<1024x128xbf16>, vector<128x128xbf16>, vector<1024x128xf32> -> vector<1024x128xf32>
    %dot_general3A_15 = arith.constant dense<0.000000e+00> : vector<1024x128xf32>
    %dot_general3A_16 = tpu.matmul %convert_element_type3A_7, %convert_element_type3A_13, %dot_general3A_15 {dimension_numbers = #tpu.dot_dimension_numbers<[1], [0], [0], [1], [0, 0, 1, 1], [], []>, transpose_lhs_hint = false} : vector<1024x128xbf16>, vector<128x128xbf16>, vector<1024x128xf32> -> vector<1024x128xf32>
    %dot_general3A_17 = arith.constant dense<0.000000e+00> : vector<1024x128xf32>
    %dot_general3A_18 = tpu.matmul %convert_element_type3A_9, %convert_element_type3A_10, %dot_general3A_17 {dimension_numbers = #tpu.dot_dimension_numbers<[1], [0], [0], [1], [0, 0, 1, 1], [], []>, transpose_lhs_hint = false} : vector<1024x128xbf16>, vector<128x128xbf16>, vector<1024x128xf32> -> vector<1024x128xf32>
    %add3A = arith.addf %dot_general3A_14, %dot_general3A_16 : vector<1024x128xf32>
    %add3A_19 = arith.addf %add3A, %dot_general3A_18 : vector<1024x128xf32>
    %get3A_20 = arith.constant 0 : index
    %get3A_21 = arith.constant 0 : index
    %get3A_22 = vector.load %arg9[%get3A_20, %get3A_21] : memref<1x128xf32, #tpu.memory_space<vmem>>, vector<1x128xf32>
    %add3A_23 = vector.broadcast %get3A_22 : vector<1x128xf32> to vector<1024x128xf32>
    %add3A_24 = arith.addf %add3A_19, %add3A_23 : vector<1024x128xf32>
    %swap3A = arith.constant 0 : index
    %swap3A_25 = arith.constant 0 : index
    %swap3A_26 = vector.load %arg7[%swap3A, %swap3A_25] : memref<1024x128xf32, #tpu.memory_space<vmem>>, vector<1024x128xf32>
    tpu.vector_store %arg7[%swap3A, %swap3A_25], %add3A_24 {strides = array<i32>} : memref<1024x128xf32, #tpu.memory_space<vmem>>, vector<1024x128xf32>,
    return
  }
  func.func @transform_0(%arg0: i32) -> (i32, i32) {
    %c0_i32 = arith.constant 0 : i32
    %c0_i32_0 = arith.constant 0 : i32
    return %arg0, %c0_i32 : i32, i32
  }
  func.func @transform_1(%arg0: i32) -> (i32, i32) {
    %c0_i32 = arith.constant 0 : i32
    %c0_i32_0 = arith.constant 0 : i32
    %c0_i32_1 = arith.constant 0 : i32
    return %c0_i32, %c0_i32_0 : i32, i32
  }
  func.func @transform_2(%arg0: i32) -> (i32, i32) {
    %c0_i32 = arith.constant 0 : i32
    %c0_i32_0 = arith.constant 0 : i32
    %c0_i32_1 = arith.constant 0 : i32
    return %c0_i32, %c0_i32_0 : i32, i32
  }
  func.func @transform_3(%arg0: i32) -> (i32, i32) {
    %c0_i32 = arith.constant 0 : i32
    %c0_i32_0 = arith.constant 0 : i32
    %c0_i32_1 = arith.constant 0 : i32
    return %c0_i32, %c0_i32_0 : i32, i32
  }
  func.func @transform_4(%arg0: i32) -> (i32, i32) {
    %c0_i32 = arith.constant 0 : i32
    %c0_i32_0 = arith.constant 0 : i32
    %c0_i32_1 = arith.constant 0 : i32
    return %c0_i32, %c0_i32_0 : i32, i32
  }
  func.func @transform_5(%arg0: i32) -> (i32, i32) {
    %c0_i32 = arith.constant 0 : i32
    %c0_i32_0 = arith.constant 0 : i32
    %c0_i32_1 = arith.constant 0 : i32
    return %c0_i32, %c0_i32_0 : i32, i32
  }
  func.func @transform_6(%arg0: i32) -> (i32, i32) {
    %c0_i32 = arith.constant 0 : i32
    %c0_i32_0 = arith.constant 0 : i32
    return %arg0, %c0_i32 : i32, i32
  }
}

module attributes {stable_mosaic.version = 14 : i64} {
  func.func @_scale_body(%arg0: i32, %arg1: memref<1024x128xf32, #tpu.memory_space<vmem>>, %arg2: memref<32x1024xf32, #tpu.memory_space<vmem>>, %arg3: memref<1024x128xf32, #tpu.memory_space<vmem>>, %arg4: memref<1024xf32, #tpu.memory_space<vmem>>) attributes {dimension_semantics = [#tpu.dimension_semantics<arbitrary>], iteration_bounds = array<i64: 10>, scalar_prefetch = 0 : i64, scratch_operands = 0 : i64, tpu.core_type = #tpu.core_type<tc>, window_params = [{transform_indices = @transform_0, window_bounds = array<i64: 1024, 128>}, {transform_indices = @transform_1, window_bounds = array<i64: 32, 1024>}, {transform_indices = @transform_2, window_bounds = array<i64: 1024, 128>}, {transform_indices = @transform_3, window_bounds = array<i64: 1024>}]} {
    %get3A = arith.constant 0 : index
    %get3A_0 = arith.constant 0 : index
    %get3A_1 = vector.load %arg2[%get3A, %get3A_0] : memref<32x1024xf32, #tpu.memory_space<vmem>>, vector<32x1024xf32>
    %reduce_sum3A = arith.constant dense<0.000000e+00> : vector<1024xf32>
    %reduce_sum3A_2 = vector.multi_reduction <add>, %get3A_1, %reduce_sum3A [0] : vector<32x1024xf32> to vector<1024xf32>
    %add3A = arith.constant 1.000000e+00 : f32
    %add3A_3 = vector.broadcast %add3A : f32 to vector<1024xf32>
    %add3A_4 = arith.addf %reduce_sum3A_2, %add3A_3 : vector<1024xf32>
    %rsqrt3A = math.rsqrt %add3A_4 : vector<1024xf32>
    %swap3A = arith.constant 0 : index
    %swap3A_5 = vector.load %arg4[%swap3A] : memref<1024xf32, #tpu.memory_space<vmem>>, vector<1024xf32>
    tpu.vector_store %arg4[%swap3A], %rsqrt3A {strides = array<i32>} : memref<1024xf32, #tpu.memory_space<vmem>>, vector<1024xf32>,
    %get3A_6 = arith.constant 0 : index
    %get3A_7 = arith.constant 0 : index
    %get3A_8 = vector.load %arg1[%get3A_6, %get3A_7] : memref<1024x128xf32, #tpu.memory_space<vmem>>, vector<1024x128xf32>
    %broadcast_in_dim3A = vector.shape_cast %rsqrt3A : vector<1024xf32> to vector<1024x1xf32>
    %mul3A = vector.broadcast %broadcast_in_dim3A : vector<1024x1xf32> to vector<1024x128xf32>
    %mul3A_9 = arith.mulf %get3A_8, %mul3A : vector<1024x128xf32>
    %swap3A_10 = arith.constant 0 : index
    %swap3A_11 = arith.constant 0 : index
    %swap3A_12 = vector.load %arg3[%swap3A_10, %swap3A_11] : memref<1024x128xf32, #tpu.memory_space<vmem>>, vector<1024x128xf32>
    tpu.vector_store %arg3[%swap3A_10, %swap3A_11], %mul3A_9 {strides = array<i32>} : memref<1024x128xf32, #tpu.memory_space<vmem>>, vector<1024x128xf32>,
    return
  }
  func.func @transform_0(%arg0: i32) -> (i32, i32) {
    %c0_i32 = arith.constant 0 : i32
    %c0_i32_0 = arith.constant 0 : i32
    return %arg0, %c0_i32 : i32, i32
  }
  func.func @transform_1(%arg0: i32) -> (i32, i32) {
    %c0_i32 = arith.constant 0 : i32
    %c0_i32_0 = arith.constant 0 : i32
    return %c0_i32, %arg0 : i32, i32
  }
  func.func @transform_2(%arg0: i32) -> (i32, i32) {
    %c0_i32 = arith.constant 0 : i32
    %c0_i32_0 = arith.constant 0 : i32
    return %arg0, %c0_i32 : i32, i32
  }
  func.func @transform_3(%arg0: i32) -> i32 {
    %c0_i32 = arith.constant 0 : i32
    return %arg0 : i32
  }
}

module attributes {stable_mosaic.version = 14 : i64} {
  func.func @_fin_body(%arg0: i32, %arg1: memref<2x1024x128xf32, #tpu.memory_space<vmem>>, %arg2: memref<1024x128xf32, #tpu.memory_space<vmem>>, %arg3: memref<1024xf32, #tpu.memory_space<vmem>>, %arg4: memref<1x128xf32, #tpu.memory_space<vmem>>, %arg5: memref<1024x128xf32, #tpu.memory_space<vmem>>) attributes {dimension_semantics = [#tpu.dimension_semantics<arbitrary>], iteration_bounds = array<i64: 10>, scalar_prefetch = 0 : i64, scratch_operands = 0 : i64, tpu.core_type = #tpu.core_type<tc>, window_params = [{transform_indices = @transform_0, window_bounds = array<i64: 2, 1024, 128>}, {transform_indices = @transform_1, window_bounds = array<i64: 1024, 128>}, {transform_indices = @transform_2, window_bounds = array<i64: 1024>}, {pipeline_mode = #tpu.pipeline_mode<synchronous>, transform_indices = @transform_3, window_bounds = array<i64: 1, 128>}, {transform_indices = @transform_4, window_bounds = array<i64: 1024, 128>}]} {
    %get3A = arith.constant 0 : index
    %get3A_0 = arith.constant 0 : index
    %get3A_1 = arith.constant 0 : index
    %get3A_2 = vector.load %arg1[%get3A, %get3A_0, %get3A_1] : memref<2x1024x128xf32, #tpu.memory_space<vmem>>, vector<1x1024x128xf32>
    %get3A_3 = vector.shape_cast %get3A_2 : vector<1x1024x128xf32> to vector<1024x128xf32>
    %get3A_4 = arith.constant 1 : index
    %get3A_5 = arith.constant 0 : index
    %get3A_6 = arith.constant 0 : index
    %get3A_7 = vector.load %arg1[%get3A_4, %get3A_5, %get3A_6] : memref<2x1024x128xf32, #tpu.memory_space<vmem>>, vector<1x1024x128xf32>
    %get3A_8 = vector.shape_cast %get3A_7 : vector<1x1024x128xf32> to vector<1024x128xf32>
    %add3A = arith.addf %get3A_3, %get3A_8 : vector<1024x128xf32>
    %get3A_9 = arith.constant 0 : index
    %get3A_10 = arith.constant 0 : index
    %get3A_11 = vector.load %arg2[%get3A_9, %get3A_10] : memref<1024x128xf32, #tpu.memory_space<vmem>>, vector<1024x128xf32>
    %add3A_12 = arith.addf %add3A, %get3A_11 : vector<1024x128xf32>
    %get3A_13 = arith.constant 0 : index
    %get3A_14 = vector.load %arg3[%get3A_13] : memref<1024xf32, #tpu.memory_space<vmem>>, vector<1024xf32>
    %broadcast_in_dim3A = vector.shape_cast %get3A_14 : vector<1024xf32> to vector<1024x1xf32>
    %mul3A = vector.broadcast %broadcast_in_dim3A : vector<1024x1xf32> to vector<1024x128xf32>
    %mul3A_15 = arith.mulf %add3A_12, %mul3A : vector<1024x128xf32>
    %get3A_16 = arith.constant 0 : index
    %get3A_17 = arith.constant 0 : index
    %get3A_18 = vector.load %arg4[%get3A_16, %get3A_17] : memref<1x128xf32, #tpu.memory_space<vmem>>, vector<1x128xf32>
    %add3A_19 = vector.broadcast %get3A_18 : vector<1x128xf32> to vector<1024x128xf32>
    %add3A_20 = arith.addf %mul3A_15, %add3A_19 : vector<1024x128xf32>
    %swap3A = arith.constant 0 : index
    %swap3A_21 = arith.constant 0 : index
    %swap3A_22 = vector.load %arg5[%swap3A, %swap3A_21] : memref<1024x128xf32, #tpu.memory_space<vmem>>, vector<1024x128xf32>
    tpu.vector_store %arg5[%swap3A, %swap3A_21], %add3A_20 {strides = array<i32>} : memref<1024x128xf32, #tpu.memory_space<vmem>>, vector<1024x128xf32>,
    return
  }
  func.func @transform_0(%arg0: i32) -> (i32, i32, i32) {
    %c0_i32 = arith.constant 0 : i32
    %c0_i32_0 = arith.constant 0 : i32
    %c0_i32_1 = arith.constant 0 : i32
    return %c0_i32, %arg0, %c0_i32_0 : i32, i32, i32
  }
  func.func @transform_1(%arg0: i32) -> (i32, i32) {
    %c0_i32 = arith.constant 0 : i32
    %c0_i32_0 = arith.constant 0 : i32
    return %arg0, %c0_i32 : i32, i32
  }
  func.func @transform_2(%arg0: i32) -> i32 {
    %c0_i32 = arith.constant 0 : i32
    return %arg0 : i32
  }
  func.func @transform_3(%arg0: i32) -> (i32, i32) {
    %c0_i32 = arith.constant 0 : i32
    %c0_i32_0 = arith.constant 0 : i32
    %c0_i32_1 = arith.constant 0 : i32
    return %c0_i32, %c0_i32_0 : i32, i32
  }
  func.func @transform_4(%arg0: i32) -> (i32, i32) {
    %c0_i32 = arith.constant 0 : i32
    %c0_i32_0 = arith.constant 0 : i32
    return %arg0, %c0_i32 : i32, i32
  }
}

</mosaic_0001>

<sc_bundles>
// kernel: kernel.10.cloned.1.call-start
scs
__scs_entry_jumppad:
0x0: {  	(pc) =	sbr.rel $0x88, $3  }
0x1: {  	(tag) =	ssettag $0x0;
	lr =	simm.s32 $0x1  }
0x2: {  	[smem:$0x3F99] =	sst lr;
	_ =	strace $0xD0000000  }
0x3: {  	_ = 	snop  }
0x4: {  	_ = 	snop  }
0x5: {  	_ = 	snop  }
0x6: {  	_ = 	snop  }
0x7: {  	_ = 	snop  }
__scs_overlays_trampoline_lowered:
0x8: {  	[smem:$0x3FA8] =	sst s0  }
0x9: {  	[smem:$0x3FA9] =	sst s1  }
0xa: {  	[smem:$0x3FAA] =	sst s2  }
0xb: {  	[smem:$0x3FAB] =	sst s3  }
0xc: {  	[smem:$0x3FAC] =	sst s4  }
0xd: {  	[smem:$0x3FAD] =	sst s5  }
0xe: {  	[smem:$0x3FAE] =	sst s6  }
0xf: {  	[smem:$0x3FAF] =	sst s7  }
0x10: {  	[smem:$0x3FB0] =	sst s8  }
0x11: {  	[smem:$0x3FB1] =	sst s9;
	s0 =	simm.s32 @!p0 $0x0  }
0x12: {  	s1 =	sld [smem:$0x3F97];
	s0 =	simm.s32 @p0 $0x1  }
0x13: {  	[smem:$0x3FB2] =	sst s0;
	s0 =	simm.s32 @!p1 $0x0  }
0x14: {  	s2 =	sld [smem:$0x3F96];
	s0 =	simm.s32 @p1 $0x1  }
0x15: {  	[smem:$0x3FB3] =	sst s0;
	s0 =	simm.s32 @!p2 $0x0  }
0x16: {  	s3 =	sld [smem:$0x3FDB];
	s0 =	simm.s32 @p2 $0x1  }
0x17: {  	s4 =	simm.s32 $0x1BF5;
	[smem:$0x3FB5] =	sst s0  }
0x18: {  	s0 =	sld [smem:$0x3F98];
	_ =	swait.ge [sflag:s4], $0x0  }
0x19: {  	s7 =	sld [smem:$0x3F99]  }
0x1a: {  	s8 =	sadd.s32 $0xFFFFE003, lr  }
0x1b: {  	s9 =	sadd.s32 $0xFFFFFEF7, lr;
	s5 =	simm.s32 $0xFFFFFFFF;
	p2 =	slt.u32 s8, $0xFFFFF086  }
0x1c: {  	p1 =	slt.u32 s9, $0xF7A;
	s5 =	simm.s32 @!p2 $0x0  }
0x1d: {  	s5 =	simm.s32 @p1 $0x1;
	p0 =	seq.s32 s7, s2  }
0x1e: {  	s7 =	smul.u32 @!p0 $0xF7A, s2;
	p2 =	seq.s32 @!p0 s5, $0x0  }
0x1f: {  	s9 =	smul.u32 $0xF7A, s1;
	s8 =	simm.s32 @!p0 $0x1BF5;
	p2 =	por !p2, p0  }
0x20: {  	[sflag:s8] =	ssyncset.s32 @!p0 $0xFFFFF086;
	s6 =	sadd.s32 @!p0 s3, s7;
	s7 =	simm.s32 @!p0 $0x108  }
0x21: {  	s3 =	sadd.s32 s3, s9;
	s6 =	sadd.s32 @!p0 $0x88, s6;
	s7 =	simm.s32 @p2 $0x1082  }
0x22: {  	[simem:s7], [sflag:s8] =	dma.local @!p0 [hbm:s6], $0xF7A  }
0x23: {  	s9 =	sor.u32 $0xD0000000, s2;
	s6 =	simm.s32 $0x108;
	_ =	swait.ge @!p0 [sflag:s8], $0x0  }
0x24: {  	s3 =	sadd.s32 $0x88, s3;
	s6 =	simm.s32 @!p1 $0x1082;
	[sflag:s4] =	ssyncset.s32 $0xFFFFF086  }
0x25: {  	[simem:s6], [sflag:s4] =	dma.local [hbm:s3], $0xF7A  }
0x26: {  	[smem:$0x3F99] =	sst s1;
	(tag) =	ssettag s2;
	_ =	strace s9  }
0x27: {  	s1 =	sld [smem:$0x3FA9]  }
0x28: {  	s2 =	sld [smem:$0x3FAA]  }
0x29: {  	s4 =	sld [smem:$0x3FAC]  }
0x2a: {  	p0 =	seq.s32 s5, $0x0;
	s5 =	sld [smem:$0x3FAD]  }
0x2b: {  	s6 =	sld [smem:$0x3FAE]  }
0x2c: {  	s7 =	sld [smem:$0x3FAF]  }
0x2d: {  	s3 =	simm.s32 $0x108;
	s8 =	sld [smem:$0x3FB0]  }
0x2e: {  	s3 =	simm.s32 @!p0 $0x1082;
	s9 =	sld [smem:$0x3FB1]  }
0x2f: {  	lr =	sadd.s32 s0, s3;
	s0 =	sld [smem:$0x3FA8]  }
0x30: {  	s3 =	sld [smem:$0x3FAB]  }
0x31: {  	[smem:$0x3FB4] =	sst s10  }
0x32: {  	s10 =	sld [smem:$0x3FB2];
	_ =	sdelay $0x3  }
0x33: {  	p0 =	seq.s32 s10, $0x1;
	s10 =	sld [smem:$0x3FB4];
	_ =	sdelay $0x3  }
0x34: {  	[smem:$0x3FB4] =	sst s10  }
0x35: {  	s10 =	sld [smem:$0x3FB3];
	_ =	sdelay $0x3  }
0x36: {  	p1 =	seq.s32 s10, $0x1;
	s10 =	sld [smem:$0x3FB4];
	_ =	sdelay $0x3  }
0x37: {  	[smem:$0x3FB4] =	sst s10  }
0x38: {  	s10 =	sld [smem:$0x3FB5]  }
0x39: {  	_ = 	snop;
	(pc) =	sbr.ind lr, $3  }
0x3a: {  	_ = 	snop  }
0x3b: {  	_ = 	snop  }
0x3c: {  	p2 =	seq.s32 s10, $0x1;
	s10 =	sld [smem:$0x3FB4]  }
0x3d: {  	_ =	shalt  }
0x3e: {  	_ =	shalt  }
0x3f: {  	_ =	shalt  }
0x40: {  	_ =	shalt  }
0x41: {  	_ =	shalt  }
0x42: {  	_ =	shalt  }
0x43: {  	_ =	shalt  }
0x44: {  	_ =	shalt  }
0x45: {  	_ =	shalt  }
0x46: {  	_ =	shalt  }
0x47: {  	_ =	shalt  }
0x48: {  	_ =	shalt  }
0x49: {  	_ =	shalt  }
0x4a: {  	_ =	shalt  }
0x4b: {  	_ =	shalt  }
0x4c: {  	_ =	shalt  }
0x4d: {  	_ =	shalt  }
0x4e: {  	_ =	shalt  }
0x4f: {  	_ =	shalt  }
0x50: {  	_ =	shalt  }
0x51: {  	_ =	shalt  }
0x52: {  	_ =	shalt  }
0x53: {  	_ =	shalt  }
0x54: {  	_ =	shalt  }
0x55: {  	_ =	shalt  }
0x56: {  	_ =	shalt  }
0x57: {  	_ =	shalt  }
0x58: {  	_ =	shalt  }
0x59: {  	_ =	shalt  }
0x5a: {  	_ =	shalt  }
0x5b: {  	_ =	shalt  }
0x5c: {  	_ =	shalt  }
0x5d: {  	_ =	shalt  }
0x5e: {  	_ =	shalt  }
0x5f: {  	_ =	shalt  }
0x60: {  	_ =	shalt  }
0x61: {  	_ =	shalt  }
0x62: {  	_ =	shalt  }
0x63: {  	_ =	shalt  }
0x64: {  	_ =	shalt  }
0x65: {  	_ =	shalt  }
0x66: {  	_ =	shalt  }
0x67: {  	_ =	shalt  }
0x68: {  	_ =	shalt  }
0x69: {  	_ =	shalt  }
0x6a: {  	_ =	shalt  }
0x6b: {  	_ =	shalt  }
0x6c: {  	_ =	shalt  }
0x6d: {  	_ =	shalt  }
0x6e: {  	_ =	shalt  }
0x6f: {  	_ =	shalt  }
0x70: {  	_ =	shalt  }
0x71: {  	_ =	shalt  }
0x72: {  	_ =	shalt  }
0x73: {  	_ =	shalt  }
0x74: {  	_ =	shalt  }
0x75: {  	_ =	shalt  }
0x76: {  	_ =	shalt  }
0x77: {  	_ =	shalt  }
0x78: {  	_ =	shalt  }
0x79: {  	_ =	shalt  }
0x7a: {  	_ =	shalt  }
0x7b: {  	_ =	shalt  }
0x7c: {  	_ =	shalt  }
0x7d: {  	_ =	shalt  }
0x7e: {  	_ =	shalt  }
0x7f: {  	_ =	shalt  }
0x80: {  	_ =	shalt  }
0x81: {  	_ =	shalt  }
0x82: {  	_ =	shalt  }
0x83: {  	_ =	shalt  }
0x84: {  	_ =	shalt  }
0x85: {  	_ =	shalt  }
0x86: {  	_ =	shalt  }
0x87: {  	_ =	shalt  }
.Lfunc_end0:
.L_simem_size_0:
called_computation.1_lowered:
.L_overlay_start_0:
0x88: {  	s2 =	sld [smem:$0x3FD9]  }
0x89: {  	s3 =	sld [smem:$0x3FFE];
	_ =	sdelay $0x1  }
0x8a: {  	s1 =	srdreg.scid  }
0x8b: {  	s0 =	sand.u32 $0x1, s1  }
0x8c: {  	s17 =	sshll.u32 s0, $0xA;
	s2 =	sadd.s32 s3, s2  }
0x8d: {  	s2 =	sadd.s32 s2, s17  }
0x8e: {  	[smem:$0x3FC0] =	sst s2  }
0x8f: {  	_ = 	snop  }
0x90: {  	s2 =	sld [smem:$0x3FD0];
	(tm) =	ssettm $0x1  }
0x91: {  	s18 =	sld [smem:$0x3FFB];
	_ =	sdelay $0x3  }
0x92: {  	_ =	strace s18  }
0x93: {  	s3 =	sld [smem:$0x3FFC];
	_ =	sdelay $0x3  }
0x94: {  	_ =	strace s3  }
0x95: {  	s3 =	sld [smem:$0x3FFD];
	_ =	sdelay $0x3  }
0x96: {  	_ =	strace s3  }
0x97: {  	_ =	strace $0x8FFFFFFF  }
0x98: {  	s19 =	sld [smem:$0x3FDB];
	_ =	sdelay $0x1  }
0x99: {  	s4 =	simm.s32 $_scs_section_size  }
0x9a: {  	s5 =	simm.s32 $_size__tile_overlayer_lowered;
	s6 =	simm.s32 $_tile_overlayer_lowered  }
0x9b: {  	s22 =	simm.s32 $0x1BFF;
	s21 =	sshll.u32 s6, $0x1;
	s3 =	sadd.s32 s4, s19  }
0x9c: {  	s7 =	simm.s32 $0x0;
	s20 =	sshll.u32 s5, $0x1;
	s5 =	sadd.s32 s21, s3  }
0x9d: {  	[timem:s7], [sflag:s22] =	dma.local [hbm:s5], s20  }
0x9e: {  	_ =	swait.ge [sflag:s22], s20  }
0x9f: {  	s4 =	ssub.s32 $0x0, s20;
	[sflag:s22] =	ssyncset.done $0x0  }
0xa0: {  	[sflag:s22] =	ssyncadd.s32 s4;
	_ =	sdelay $0x1  }
0xa1: {  	s23 =	simm.s32 $0x1B8B  }
0xa2: {  	_ =	swait.ge [sflag:s23], $0x1  }
0xa3: {  	[sflag:s23] =	ssyncset.done $0x0  }
0xa4: {  	s25 =	simm.s32 $0x1B8E;
	s24 =	sld [smem:$0x3FFE];
	[sflag:s23] =	ssyncadd.s32 $0xFFFFFFFF  }
0xa5: {  	s26 =	simm.s32 $execute0_lowered;
	[smem:$0x3FD2] =	sst s25  }
0xa6: {  	s5 =	sshll.u32 s26, $0x1;
	_ =	strace $0x80000049;
	[dreg:$0x1] =	wrdreg $0xFFFFFFFF  }
0xa7: {  	s28 =	simm.s32 $_size_execute0_lowered;
	s3 =	sadd.s32 s3, s5;
	[dreg:$0x0] =	wrdreg $0x0  }
0xa8: {  	s5 =	sshll.u32 s28, $0x1;
	[dreg:$0x2] =	wrdreg s3  }
0xa9: {  	[dreg:$0x3] =	wrdreg s5  }
0xaa: {  	[dreg:$0x4] =	wrdreg $0xC0  }
0xab: {  	_ =	task [dreg:s7], $0x5FFFF  }
0xac: {  	[dreg:$0x1] =	wrdreg $0xFFFFFFFF  }
0xad: {  	[dreg:$0x0] =	wrdreg $0x60  }
0xae: {  	[dreg:$0x2] =	wrdreg s24  }
0xaf: {  	[dreg:$0x3] =	wrdreg s2  }
0xb0: {  	[dreg:$0x4] =	wrdreg $0x84000  }
0xb1: {  	[dreg:$0x5] =	wrdreg $0x9  }
0xb2: {  	_ =	task.clear_ibuf [dreg:s7], $0x6FFFF;
	_ =	strace $0x90000049  }
0xb3: {  	s29 =	simm.s32 $0x9;
	_ =	strace $0x8000004B  }
0xb4: {  	_ =	swait.ge [sflag:s29], $0x1  }
0xb5: {  	[sflag:s29] =	ssyncadd.s32 $0xFFFFFFFF  }
0xb6: {  	_ =	strace $0x9000004B  }
0xb7: {  	_ =	sfence  }
0xb8: {  	s30 =	sld [smem:$0x0];
	_ =	sdelay $0x2  }
0xb9: {  	s31 =	sshll.u32 s1, $0xD;
	s1 =	sshrl.u32 s1, $0x2  }
0xba: {  	s3 =	sand.u32 $0x4000, s31;
	s1 =	sadd.s32 s1, s30  }
0xbb: {  	s0 =	sor.u32 s3, s0;
	s1 =	sshll.u32 s1, $0x11  }
0xbc: {  	s0 =	sor.u32 s1, s0  }
0xbd: {  	s0 =	sadd.s32 $0x8F2B, s0  }
0xbe: {  	[sflag:s0] =	ssyncadd.remote.s32 $0x1  }
0xbf: {  	_ =	sfence.sel $0xFFFF  }
0xc0: {  	[dreg:$0x0] =	wrdreg $0xFFFFFFFF;
	(pc) =	sbr.abs _section_cstart, $3  }
0xc1: {  	[dreg:$0x1] =	wrdreg $0xFFFFFFFF  }
0xc2: {  	_ =	task.clear_ibuf [dreg:s7], $0x2FFFF;
	_ =	strace $0x9FFFFFFF  }
0xc3: {  	(tm) =	ssettm $0x7FFFFFFF  }
tec
execute0_lowered:
.L_overlay_start_1:
0x0: {  	(tag) =	ssettag $0x1  }
0x1: {  	s0 =	rddreg [dreg:$0x0]  }
0x2: {  	s1 =	rddreg [dreg:$0x1]  }
0x3: {  	s2 =	rddreg [dreg:$0x2]  }
0x4: {  	s3 =	simm.s32 $0x0;
	s12 =	stileid.u32;
	s4 =	srdreg.scid  }
0x5: {  	s16 =	simm.s32 $0x100;
	s17 =	simm.s32 $0x200;
	s18 =	simm.s32 $0x300  }
0x6: {  	s28 =	simm.s32 $0x3;
	s29 =	simm.s32 $0x6;
	s30 =	simm.s32 $0x180  }
0x7: {  	s31 =	simm.s32 $0x4;
	[smem:$0x7FF] =	sst s3;
	s5 =	smul.u32 $0x14000, s12  }
0x8: {  	s6 =	sand.u32 $0x1, s4;
	s8 =	sshll.u32 s12, $0x1;
	s10 =	smul.u32 $0x50000, s12  }
0x9: {  	s4 =	sadd.s32 $0x1E00, s0;
	s11 =	smul.u32 $0xA0, s12;
	s26 =	sshll.u32 s12, $0x6  }
0xa: {  	_ =	strace $0x8000004A;
	s7 =	smul.u32 $0x140000, s6;
	s8 =	sor.u32 s6, s8  }
0xb: {  	s20 =	ssub.s32 $0x2, s6;
	s6 =	smul.u32 $0x50, s6;
	s9 =	sshrl.u32 s5, $0x3  }
0xc: {  	s19 =	smul.u32 $0xA00, s8;
	s21 =	sshrl.u32 s20, $0x1;
	s23 =	sshrl.u32 s10, $0x2  }
0xd: {  	s10 =	sor.u32 $0x1C07, s26;
	s26 =	simm.s32 $0x5;
	s9 =	sadd.s32 s9, s0  }
0xe: {  	s5 =	sadd.s32 s5, s7;
	s13 =	ssub.s32 s20, s21;
	s6 =	sadd.s32 s6, s11  }
0xf: {  	s20 =	simm.s32 $0x7;
	s21 =	simm.s32 $0x1;
	s5 =	sshrl.u32 s5, $0x3  }
0x10: {  	s25 =	sadd.s32 $0x29E00, s9;
	s6 =	sshll.u32 s6, $0x5;
	s13 =	smax.u32 s13, $0x1  }
0x11: {  	s0 =	sadd.s32 s5, s0;
	s5 =	sadd.s32 s1, s19;
	[dreg:$0x7] =	wrdreg s25  }
0x12: {  	s12 =	sadd.s32 s6, s1;
	s25 =	simm.s32 $0x4400;
	s1 =	simm.s32 $0x380  }
0x13: {  	s6 =	simm.s32 $0x0;
	s7 =	sadd.s32 $0x20, s5;
	s22 =	sadd.s32 $0x40, s5  }
.Ltmp0:
0x14: {  	s24 =	sadd.s32 $0x60, s5;
	[dreg:$0x4] =	wrdreg s7;
	(pc) =	sbr.rel .LBB2_1-.Ltmp0, $4  }
0x15: {  	s0 =	sadd.s32 $0x51E00, s0;
	s14 =	sadd.s32 $0xC0, s12;
	[dreg:$0x5] =	wrdreg s22  }
0x16: {  	s15 =	sadd.s32 $0x80, s12;
	[dreg:$0x6] =	wrdreg s24;
	s7 =	sadd.s32 s23, s2  }
0x17: {  	[dreg:$0x8] =	wrdreg s0;
	s22 =	simm.s32 $0x80;
	s23 =	simm.s32 $0x400  }
0x18: {  	s24 =	simm.s32 $0x2;
	s0 =	simm.s32 $0x280;
	s19 =	sshrl.u32 s7, $0x3  }
.LBB2_4:
0x19: {  	_ =	swait.ge [sflag:s29], $0x4000  }
0x1a: {  	[sflag:s29] =	ssyncset.done $0x0  }
0x1b: {  	[sflag:s29] =	ssyncadd.s32 $0xFFFFC000  }
0x1c: {  	[spmem:s2] =	stream.indirect.scatter.add.f32 [tilespmem:s25], [sflag:$0x7], $0x80, s1, s22, $0xb8;
	[tilespmem:$0x1C400] =	vst v63  }
0x1d: {  	_ =	swait.ge [sflag:s20], $0x4000  }
0x1e: {  	[sflag:s20] =	ssyncset.done $0x0  }
0x1f: {  	s6 =	sadd.s32 $0x1, s6;
	[sflag:s20] =	ssyncadd.s32 $0xFFFFC000  }
0x20: {  	p0 =	sne.s32 s6, s13;
	[bflag:$0x0] =	sbarrier.arrive $0xFFFF  }
.Ltmp1:
0x21: {  	s7 =	rddreg [dreg:$0x8];
	(pc) =	sbr.rel @!p0 .LBB2_5-.Ltmp1, $4  }
0x22: {  	[hbm:s7], [sflag:s10] =	dma.local [spmem:s19], $0x2800  }
0x23: {  	_ =	swait.ge [sflag:s20], $0x2800  }
0x24: {  	[sflag:s20] =	ssyncset.done $0x0  }
0x25: {  	[sflag:s20] =	ssyncadd.s32 $0xFFFFD800  }
.LBB2_1:
0x26: {  	[tilespmem:s3], [sflag:$0x1] =	stream.linear.gather [hbm4b:s5+s3], $0x100, $0x38;
	[tilespmem:$0x1C400] =	vst v63  }
0x27: {  	s7 =	rddreg [dreg:$0x4]  }
0x28: {  	s8 =	rddreg [dreg:$0x5]  }
0x29: {  	[tilespmem:s16], [sflag:$0x2] =	stream.linear.gather [hbm4b:s7+s3], $0x100, $0x38;
	[tilespmem:$0x1C400] =	vst v63  }
0x2a: {  	s9 =	rddreg [dreg:$0x6]  }
0x2b: {  	[tilespmem:s17], [sflag:$0x3] =	stream.linear.gather [hbm4b:s8+s3], $0x100, $0x38;
	[tilespmem:$0x1C400] =	vst v63  }
0x2c: {  	s11 =	rddreg [dreg:$0x7]  }
0x2d: {  	[tilespmem:s18], [sflag:$0x4] =	stream.linear.gather [hbm4b:s9+s3], $0x100, $0x38;
	[tilespmem:$0x1C400] =	vst v63  }
0x2e: {  	[spmem:s19], [sflag:s10] =	dma.local [hbm:s11], $0x2800  }
0x2f: {  	_ =	swait.ge [sflag:s20], $0x2800  }
0x30: {  	[sflag:s20] =	ssyncset.done $0x0  }
0x31: {  	[sflag:s20] =	ssyncadd.s32 $0xFFFFD800  }
0x32: {  	[bflag:$0x0] =	sbarrier.arrive $0xFFFF  }
0x33: {  	_ =	swait.ge [sflag:s21], $0x100  }
0x34: {  	[sflag:s21] =	ssyncset.done $0x0  }
0x35: {  	s7 =	simm.s32 $0x0;
	[sflag:s21] =	ssyncadd.s32 $0xFFFFFF00  }
0x36: {  	[tilespmem:s23], [sflag:$0x5] =	stream.indirect.gather [hbm4b:s4+s22], $0x80, s3, s22, $0xb8;
	[tilespmem:$0x1C400] =	vst v63  }
.LBB2_2:
0x37: {  	_ =	swait.ge [sflag:s24], $0x100  }
0x38: {  	[sflag:s24] =	ssyncset.done $0x0  }
0x39: {  	[sflag:s24] =	ssyncadd.s32 $0xFFFFFF00  }
0x3a: {  	[tilespmem:s25], [sflag:$0x6] =	stream.indirect.gather [hbm4b:s4+s22], $0x80, s16, s22, $0xb8;
	[tilespmem:$0x1C400] =	vst v63  }
0x3b: {  	_ =	swait.ge [sflag:s26], $0x4000  }
0x3c: {  	[sflag:s26] =	ssyncset.done $0x0  }
0x3d: {  	[sflag:s26] =	ssyncadd.s32 $0xFFFFC000  }
0x3e: {  	[spmem:s2] =	stream.indirect.scatter.add.f32 [tilespmem:s23], [sflag:$0x7], $0x80, s22, s22, $0xb8;
	[tilespmem:$0x1C400] =	vst v63  }
0x3f: {  	_ =	swait.ge [sflag:s20], $0x4000  }
0x40: {  	p0 =	seq.s32 s7, $0x980;
	[sflag:s20] =	ssyncset.done $0x0  }
0x41: {  	s8 =	sadd.s32 @!p0 s7, s15;
	s9 =	simm.s32 @!p0 $0x0;
	[sflag:s20] =	ssyncadd.s32 $0xFFFFC000  }
0x42: {  	[tilespmem:s9], [sflag:$0x1] =	stream.linear.gather @!p0 [hbm4b:s8+s9], $0x100, $0x38;
	[tilespmem:$0x1C400] =	vst v63  }
0x43: {  	_ =	swait.ge [sflag:s28], $0x100  }
0x44: {  	[sflag:s28] =	ssyncset.done $0x0  }
0x45: {  	[sflag:s28] =	ssyncadd.s32 $0xFFFFFF00  }
0x46: {  	[tilespmem:s23], [sflag:$0x5] =	stream.indirect.gather [hbm4b:s4+s22], $0x80, s17, s22, $0xb8;
	[tilespmem:$0x1C400] =	vst v63  }
0x47: {  	_ =	swait.ge [sflag:s29], $0x4000  }
0x48: {  	[sflag:s29] =	ssyncset.done $0x0  }
0x49: {  	[sflag:s29] =	ssyncadd.s32 $0xFFFFC000  }
0x4a: {  	[spmem:s2] =	stream.indirect.scatter.add.f32 [tilespmem:s25], [sflag:$0x7], $0x80, s30, s22, $0xb8;
	[tilespmem:$0x1C400] =	vst v63  }
0x4b: {  	_ =	swait.ge [sflag:s20], $0x4000  }
0x4c: {  	s8 =	sadd.s32 @!p0 s7, s12;
	[sflag:s20] =	ssyncset.done $0x0  }
0x4d: {  	s11 =	simm.s32 @!p0 $0x100;
	s8 =	sadd.s32 @!p0 $0xA0, s8;
	[sflag:s20] =	ssyncadd.s32 $0xFFFFC000  }
0x4e: {  	[tilespmem:s11], [sflag:$0x2] =	stream.linear.gather @!p0 [hbm4b:s8+s9], $0x100, $0x38;
	[tilespmem:$0x1C400] =	vst v63  }
0x4f: {  	_ =	swait.ge [sflag:s31], $0x100  }
0x50: {  	[sflag:s31] =	ssyncset.done $0x0  }
0x51: {  	[sflag:s31] =	ssyncadd.s32 $0xFFFFFF00  }
0x52: {  	[tilespmem:s25], [sflag:$0x6] =	stream.indirect.gather [hbm4b:s4+s22], $0x80, s18, s22, $0xb8;
	[tilespmem:$0x1C400] =	vst v63  }
0x53: {  	_ =	swait.ge [sflag:s26], $0x4000  }
0x54: {  	[sflag:s26] =	ssyncset.done $0x0  }
.Ltmp2:
0x55: {  	[sflag:s26] =	ssyncadd.s32 $0xFFFFC000;
	(pc) =	sbr.rel @p0 .LBB2_4-.Ltmp2, $4  }
0x56: {  	[spmem:s2] =	stream.indirect.scatter.add.f32 [tilespmem:s23], [sflag:$0x7], $0x80, s0, s22, $0xb8;
	[tilespmem:$0x1C400] =	vst v63  }
0x57: {  	_ =	swait.ge [sflag:s20], $0x4000  }
0x58: {  	[sflag:s20] =	ssyncset.done $0x0  }
0x59: {  	[sflag:s20] =	ssyncadd.s32 $0xFFFFC000  }
0x5a: {  	s8 =	sadd.s32 s7, s14  }
0x5b: {  	[tilespmem:s17], [sflag:$0x3] =	stream.linear.gather [hbm4b:s8+s3], $0x100, $0x38;
	[tilespmem:$0x1C400] =	vst v63  }
0x5c: {  	_ =	swait.ge [sflag:s21], $0x100  }
0x5d: {  	[sflag:s21] =	ssyncset.done $0x0  }
0x5e: {  	[sflag:s21] =	ssyncadd.s32 $0xFFFFFF00  }
0x5f: {  	[tilespmem:s23], [sflag:$0x5] =	stream.indirect.gather [hbm4b:s4+s22], $0x80, s3, s22, $0xb8;
	[tilespmem:$0x1C400] =	vst v63  }
0x60: {  	_ =	swait.ge [sflag:s29], $0x4000  }
0x61: {  	[sflag:s29] =	ssyncset.done $0x0  }
0x62: {  	[sflag:s29] =	ssyncadd.s32 $0xFFFFC000  }
0x63: {  	[spmem:s2] =	stream.indirect.scatter.add.f32 [tilespmem:s25], [sflag:$0x7], $0x80, s1, s22, $0xb8;
	[tilespmem:$0x1C400] =	vst v63  }
.Ltmp3:
0x64: {  	_ = 	snop;
	(pc) =	sbr.rel .LBB2_2-.Ltmp3, $4  }
0x65: {  	_ =	swait.ge [sflag:s20], $0x4000  }
0x66: {  	s11 =	sadd.s32 s7, s12;
	[sflag:s20] =	ssyncset.done $0x0  }
0x67: {  	s7 =	sadd.s32 $0x80, s7;
	s8 =	sadd.s32 $0xE0, s11;
	[sflag:s20] =	ssyncadd.s32 $0xFFFFC000  }
0x68: {  	[tilespmem:s18], [sflag:$0x4] =	stream.linear.gather [hbm4b:s8+s3], $0x100, $0x38;
	[tilespmem:$0x1C400] =	vst v63  }
.LBB2_5:
0x69: {  	_ =	sfence.sel $0x180000  }
0x6a: {  	[bflag:$0x0] =	sbarrier.arrive $0xFFFF  }
0x6b: {  	_ =	strace $0x9000004A  }
0x6c: {  	s0 =	stileid.u32;
	[bflag:$0x2] =	sbarrier.arrive $0xFFFF  }
0x6d: {  	p0 =	sne.s32 s0, $0x0;
	s0 =	rddreg [dreg:$0x3]  }
0x6e: {  	s0 =	sadd.s32 @!p0 $0x100000, s0  }
0x6f: {  	[sflag:s0] =	ssyncadd.tile.s32 @!p0 $0x1;
	_ =	shalt  }
.Lfunc_end2:
_tile_overlayer_lowered:
.L_overlay_start_2:
0x70: {  	(tag) =	ssettag $0x2  }
0x71: {  	s0 =	rddreg [dreg:$0x0];
	s2 =	stileid.u32  }
0x72: {  	s1 =	rddreg [dreg:$0x1];
	p0 =	sne.s32 s2, $0x0  }
0x73: {  	s3 =	rddreg [dreg:$0x2];
	[bflag:$0x3] =	sbarrier.arrive $0xFFFF;
	s2 =	simm.s32 @!p0 $0x1C07  }
0x74: {  	[timem:s3], [sflag:s2] =	dma.local @!p0 [hbm:s0], s1  }
0x75: {  	s0 =	simm.s32 @!p0 $0x7  }
0x76: {  	_ =	swait.ge @!p0 [sflag:s0], s1  }
0x77: {  	s1 =	ssub.s32 @!p0 $0x0, s1;
	[sflag:s0] =	ssyncset.done @!p0 $0x0  }
0x78: {  	[sflag:s0] =	ssyncadd.s32 @!p0 s1  }
0x79: {  	[bflag:$0x3] =	sbarrier.arrive $0xFFFF  }
0x7a: {  	_ =	shalt  }

// kernel: kernel.7.cloned.1.call-start
scs
__scs_entry_jumppad:
0x0: {  	(pc) =	sbr.rel $0x88, $3  }
0x1: {  	(tag) =	ssettag $0x0;
	lr =	simm.s32 $0x1  }
0x2: {  	[smem:$0x3F99] =	sst lr;
	_ =	strace $0xD0000000  }
0x3: {  	_ = 	snop  }
0x4: {  	_ = 	snop  }
0x5: {  	_ = 	snop  }
0x6: {  	_ = 	snop  }
0x7: {  	_ = 	snop  }
__scs_overlays_trampoline_lowered:
0x8: {  	[smem:$0x3FA8] =	sst s0  }
0x9: {  	[smem:$0x3FA9] =	sst s1  }
0xa: {  	[smem:$0x3FAA] =	sst s2  }
0xb: {  	[smem:$0x3FAB] =	sst s3  }
0xc: {  	[smem:$0x3FAC] =	sst s4  }
0xd: {  	[smem:$0x3FAD] =	sst s5  }
0xe: {  	[smem:$0x3FAE] =	sst s6  }
0xf: {  	[smem:$0x3FAF] =	sst s7  }
0x10: {  	[smem:$0x3FB0] =	sst s8  }
0x11: {  	[smem:$0x3FB1] =	sst s9;
	s0 =	simm.s32 @!p0 $0x0  }
0x12: {  	s1 =	sld [smem:$0x3F97];
	s0 =	simm.s32 @p0 $0x1  }
0x13: {  	[smem:$0x3FB2] =	sst s0;
	s0 =	simm.s32 @!p1 $0x0  }
0x14: {  	s2 =	sld [smem:$0x3F96];
	s0 =	simm.s32 @p1 $0x1  }
0x15: {  	[smem:$0x3FB3] =	sst s0;
	s0 =	simm.s32 @!p2 $0x0  }
0x16: {  	s3 =	sld [smem:$0x3FDB];
	s0 =	simm.s32 @p2 $0x1  }
0x17: {  	s4 =	simm.s32 $0x1BF5;
	[smem:$0x3FB5] =	sst s0  }
0x18: {  	s0 =	sld [smem:$0x3F98];
	_ =	swait.ge [sflag:s4], $0x0  }
0x19: {  	s7 =	sld [smem:$0x3F99]  }
0x1a: {  	s8 =	sadd.s32 $0xFFFFE003, lr  }
0x1b: {  	s9 =	sadd.s32 $0xFFFFFEF7, lr;
	s5 =	simm.s32 $0xFFFFFFFF;
	p2 =	slt.u32 s8, $0xFFFFF086  }
0x1c: {  	p1 =	slt.u32 s9, $0xF7A;
	s5 =	simm.s32 @!p2 $0x0  }
0x1d: {  	s5 =	simm.s32 @p1 $0x1;
	p0 =	seq.s32 s7, s2  }
0x1e: {  	s7 =	smul.u32 @!p0 $0xF7A, s2;
	p2 =	seq.s32 @!p0 s5, $0x0  }
0x1f: {  	s9 =	smul.u32 $0xF7A, s1;
	s8 =	simm.s32 @!p0 $0x1BF5;
	p2 =	por !p2, p0  }
0x20: {  	[sflag:s8] =	ssyncset.s32 @!p0 $0xFFFFF086;
	s6 =	sadd.s32 @!p0 s3, s7;
	s7 =	simm.s32 @!p0 $0x108  }
0x21: {  	s3 =	sadd.s32 s3, s9;
	s6 =	sadd.s32 @!p0 $0x88, s6;
	s7 =	simm.s32 @p2 $0x1082  }
0x22: {  	[simem:s7], [sflag:s8] =	dma.local @!p0 [hbm:s6], $0xF7A  }
0x23: {  	s9 =	sor.u32 $0xD0000000, s2;
	s6 =	simm.s32 $0x108;
	_ =	swait.ge @!p0 [sflag:s8], $0x0  }
0x24: {  	s3 =	sadd.s32 $0x88, s3;
	s6 =	simm.s32 @!p1 $0x1082;
	[sflag:s4] =	ssyncset.s32 $0xFFFFF086  }
0x25: {  	[simem:s6], [sflag:s4] =	dma.local [hbm:s3], $0xF7A  }
0x26: {  	[smem:$0x3F99] =	sst s1;
	(tag) =	ssettag s2;
	_ =	strace s9  }
0x27: {  	s1 =	sld [smem:$0x3FA9]  }
0x28: {  	s2 =	sld [smem:$0x3FAA]  }
0x29: {  	s4 =	sld [smem:$0x3FAC]  }
0x2a: {  	p0 =	seq.s32 s5, $0x0;
	s5 =	sld [smem:$0x3FAD]  }
0x2b: {  	s6 =	sld [smem:$0x3FAE]  }
0x2c: {  	s7 =	sld [smem:$0x3FAF]  }
0x2d: {  	s3 =	simm.s32 $0x108;
	s8 =	sld [smem:$0x3FB0]  }
0x2e: {  	s3 =	simm.s32 @!p0 $0x1082;
	s9 =	sld [smem:$0x3FB1]  }
0x2f: {  	lr =	sadd.s32 s0, s3;
	s0 =	sld [smem:$0x3FA8]  }
0x30: {  	s3 =	sld [smem:$0x3FAB]  }
0x31: {  	[smem:$0x3FB4] =	sst s10  }
0x32: {  	s10 =	sld [smem:$0x3FB2];
	_ =	sdelay $0x3  }
0x33: {  	p0 =	seq.s32 s10, $0x1;
	s10 =	sld [smem:$0x3FB4];
	_ =	sdelay $0x3  }
0x34: {  	[smem:$0x3FB4] =	sst s10  }
0x35: {  	s10 =	sld [smem:$0x3FB3];
	_ =	sdelay $0x3  }
0x36: {  	p1 =	seq.s32 s10, $0x1;
	s10 =	sld [smem:$0x3FB4];
	_ =	sdelay $0x3  }
0x37: {  	[smem:$0x3FB4] =	sst s10  }
0x38: {  	s10 =	sld [smem:$0x3FB5]  }
0x39: {  	_ = 	snop;
	(pc) =	sbr.ind lr, $3  }
0x3a: {  	_ = 	snop  }
0x3b: {  	_ = 	snop  }
0x3c: {  	p2 =	seq.s32 s10, $0x1;
	s10 =	sld [smem:$0x3FB4]  }
0x3d: {  	_ =	shalt  }
0x3e: {  	_ =	shalt  }
0x3f: {  	_ =	shalt  }
0x40: {  	_ =	shalt  }
0x41: {  	_ =	shalt  }
0x42: {  	_ =	shalt  }
0x43: {  	_ =	shalt  }
0x44: {  	_ =	shalt  }
0x45: {  	_ =	shalt  }
0x46: {  	_ =	shalt  }
0x47: {  	_ =	shalt  }
0x48: {  	_ =	shalt  }
0x49: {  	_ =	shalt  }
0x4a: {  	_ =	shalt  }
0x4b: {  	_ =	shalt  }
0x4c: {  	_ =	shalt  }
0x4d: {  	_ =	shalt  }
0x4e: {  	_ =	shalt  }
0x4f: {  	_ =	shalt  }
0x50: {  	_ =	shalt  }
0x51: {  	_ =	shalt  }
0x52: {  	_ =	shalt  }
0x53: {  	_ =	shalt  }
0x54: {  	_ =	shalt  }
0x55: {  	_ =	shalt  }
0x56: {  	_ =	shalt  }
0x57: {  	_ =	shalt  }
0x58: {  	_ =	shalt  }
0x59: {  	_ =	shalt  }
0x5a: {  	_ =	shalt  }
0x5b: {  	_ =	shalt  }
0x5c: {  	_ =	shalt  }
0x5d: {  	_ =	shalt  }
0x5e: {  	_ =	shalt  }
0x5f: {  	_ =	shalt  }
0x60: {  	_ =	shalt  }
0x61: {  	_ =	shalt  }
0x62: {  	_ =	shalt  }
0x63: {  	_ =	shalt  }
0x64: {  	_ =	shalt  }
0x65: {  	_ =	shalt  }
0x66: {  	_ =	shalt  }
0x67: {  	_ =	shalt  }
0x68: {  	_ =	shalt  }
0x69: {  	_ =	shalt  }
0x6a: {  	_ =	shalt  }
0x6b: {  	_ =	shalt  }
0x6c: {  	_ =	shalt  }
0x6d: {  	_ =	shalt  }
0x6e: {  	_ =	shalt  }
0x6f: {  	_ =	shalt  }
0x70: {  	_ =	shalt  }
0x71: {  	_ =	shalt  }
0x72: {  	_ =	shalt  }
0x73: {  	_ =	shalt  }
0x74: {  	_ =	shalt  }
0x75: {  	_ =	shalt  }
0x76: {  	_ =	shalt  }
0x77: {  	_ =	shalt  }
0x78: {  	_ =	shalt  }
0x79: {  	_ =	shalt  }
0x7a: {  	_ =	shalt  }
0x7b: {  	_ =	shalt  }
0x7c: {  	_ =	shalt  }
0x7d: {  	_ =	shalt  }
0x7e: {  	_ =	shalt  }
0x7f: {  	_ =	shalt  }
0x80: {  	_ =	shalt  }
0x81: {  	_ =	shalt  }
0x82: {  	_ =	shalt  }
0x83: {  	_ =	shalt  }
0x84: {  	_ =	shalt  }
0x85: {  	_ =	shalt  }
0x86: {  	_ =	shalt  }
0x87: {  	_ =	shalt  }
.Lfunc_end0:
.L_simem_size_0:
called_computation_lowered:
.L_overlay_start_0:
0x88: {  	s2 =	sld [smem:$0x3FD9]  }
0x89: {  	s3 =	sld [smem:$0x3FFE];
	_ =	sdelay $0x1  }
0x8a: {  	s1 =	srdreg.scid  }
0x8b: {  	s0 =	sand.u32 $0x1, s1  }
0x8c: {  	s16 =	sshll.u32 s0, $0xA;
	s2 =	sadd.s32 s3, s2  }
0x8d: {  	s2 =	sadd.s32 s2, s16  }
0x8e: {  	[smem:$0x3FC0] =	sst s2  }
0x8f: {  	_ = 	snop  }
0x90: {  	(tm) =	ssettm $0x1  }
0x91: {  	s17 =	sld [smem:$0x3FFB];
	_ =	sdelay $0x3  }
0x92: {  	_ =	strace s17  }
0x93: {  	s2 =	sld [smem:$0x3FFC];
	_ =	sdelay $0x3  }
0x94: {  	_ =	strace s2  }
0x95: {  	s2 =	sld [smem:$0x3FFD];
	_ =	sdelay $0x3  }
0x96: {  	_ =	strace s2  }
0x97: {  	_ =	strace $0x8FFFFFFF  }
0x98: {  	s18 =	sld [smem:$0x3FDB];
	_ =	sdelay $0x1  }
0x99: {  	s19 =	simm.s32 $_scs_section_size  }
0x9a: {  	s4 =	simm.s32 $_size__tile_overlayer_lowered;
	s5 =	simm.s32 $_tile_overlayer_lowered  }
0x9b: {  	s22 =	simm.s32 $0x1BFF;
	s21 =	sshll.u32 s5, $0x1;
	s2 =	sadd.s32 s19, s18  }
0x9c: {  	s6 =	simm.s32 $0x0;
	s20 =	sshll.u32 s4, $0x1;
	s4 =	sadd.s32 s21, s2  }
0x9d: {  	[timem:s6], [sflag:s22] =	dma.local [hbm:s4], s20  }
0x9e: {  	_ =	swait.ge [sflag:s22], s20  }
0x9f: {  	s3 =	ssub.s32 $0x0, s20;
	[sflag:s22] =	ssyncset.done $0x0  }
0xa0: {  	[sflag:s22] =	ssyncadd.s32 s3;
	_ =	sdelay $0x1  }
0xa1: {  	s23 =	simm.s32 $0x1B8B  }
0xa2: {  	_ =	swait.ge [sflag:s23], $0x1  }
0xa3: {  	[sflag:s23] =	ssyncset.done $0x0  }
0xa4: {  	s25 =	simm.s32 $0x1B8E;
	s24 =	sld [smem:$0x3FFE];
	[sflag:s23] =	ssyncadd.s32 $0xFFFFFFFF  }
0xa5: {  	s26 =	simm.s32 $execute0_lowered;
	[smem:$0x3FD2] =	sst s25  }
0xa6: {  	s4 =	sshll.u32 s26, $0x1;
	_ =	strace $0x80000046;
	[dreg:$0x1] =	wrdreg $0xFFFFFFFF  }
0xa7: {  	s28 =	simm.s32 $_size_execute0_lowered;
	s2 =	sadd.s32 s2, s4;
	[dreg:$0x0] =	wrdreg $0x0  }
0xa8: {  	s4 =	sshll.u32 s28, $0x1;
	[dreg:$0x2] =	wrdreg s2  }
0xa9: {  	[dreg:$0x3] =	wrdreg s4  }
0xaa: {  	[dreg:$0x4] =	wrdreg $0xC0  }
0xab: {  	_ =	task [dreg:s6], $0x5FFFF  }
0xac: {  	[dreg:$0x1] =	wrdreg $0xFFFFFFFF  }
0xad: {  	[dreg:$0x0] =	wrdreg $0x60  }
0xae: {  	[dreg:$0x2] =	wrdreg s24  }
0xaf: {  	[dreg:$0x3] =	wrdreg $0x9  }
0xb0: {  	_ =	task.clear_ibuf [dreg:s6], $0x4FFFF;
	_ =	strace $0x90000046  }
0xb1: {  	s29 =	simm.s32 $0x9;
	_ =	strace $0x80000048  }
0xb2: {  	_ =	swait.ge [sflag:s29], $0x1  }
0xb3: {  	[sflag:s29] =	ssyncadd.s32 $0xFFFFFFFF  }
0xb4: {  	_ =	strace $0x90000048  }
0xb5: {  	_ =	sfence  }
0xb6: {  	s30 =	sld [smem:$0x0];
	_ =	sdelay $0x2  }
0xb7: {  	s31 =	sshll.u32 s1, $0xD;
	s1 =	sshrl.u32 s1, $0x2  }
0xb8: {  	s3 =	sand.u32 $0x4000, s31;
	s1 =	sadd.s32 s1, s30  }
0xb9: {  	s0 =	sor.u32 s3, s0;
	s1 =	sshll.u32 s1, $0x11  }
0xba: {  	s0 =	sor.u32 s1, s0  }
0xbb: {  	s0 =	sadd.s32 $0x8F2B, s0  }
0xbc: {  	[sflag:s0] =	ssyncadd.remote.s32 $0x1  }
0xbd: {  	_ =	sfence.sel $0xFFFF  }
0xbe: {  	[dreg:$0x0] =	wrdreg $0xFFFFFFFF;
	(pc) =	sbr.abs _section_cstart, $3  }
0xbf: {  	[dreg:$0x1] =	wrdreg $0xFFFFFFFF  }
0xc0: {  	_ =	task.clear_ibuf [dreg:s6], $0x2FFFF;
	_ =	strace $0x9FFFFFFF  }
0xc1: {  	(tm) =	ssettm $0x7FFFFFFF  }
tec
execute0_lowered:
.L_overlay_start_1:
0x0: {  	(tag) =	ssettag $0x1  }
0x1: {  	s1 =	srdreg.scid;
	s0 =	stileid.u32  }
0x2: {  	s4 =	sand.u32 $0x1, s1;
	s2 =	sshll.u32 s0, $0x1  }
0x3: {  	s3 =	rddreg [dreg:$0x0];
	s5 =	sor.u32 s4, s2  }
0x4: {  	s7 =	simm.s32 $0x2800;
	s8 =	simm.s32 $0x0;
	s5 =	smul.u32 $0x500, s5  }
0x5: {  	s1 =	rddreg [dreg:$0x1];
	s2 =	simm.s32 $0x0;
	s4 =	ssub.s32 $0x2, s4  }
0x6: {  	[smem:$0x7FF] =	sst s2;
	s6 =	sshrl.u32 s4, $0x1;
	s5 =	sadd.s32 s5, s3  }
0x7: {  	_ =	strace $0x80000047;
	s6 =	ssub.s32 s4, s6;
	s3 =	sadd.s32 $0x1E00, s5  }
0x8: {  	v0 =	vimm.f32 $0.0e+00;
	v1 =	vimm.f32 $1.000000000e+00;
	s4 =	sadd.s32 $0xBE00, s5;
	s5 =	smax.u32 s6, $0x1;
	s6 =	simm.s32 $0x1  }
.LBB2_1:
0x9: {  	[tilespmem:s2], [sflag:$0x1] =	stream.linear.gather [hbm4b:s3+s2], $0x2800, $0x38;
	[tilespmem:$0x5000] =	vst v63  }
0xa: {  	_ =	swait.ge [sflag:s6], $0x2800  }
0xb: {  	[sflag:s6] =	ssyncset.done $0x0  }
0xc: {  	s9 =	simm.s32 $0x0;
	[sflag:s6] =	ssyncadd.s32 $0xFFFFD800  }
.LBB2_2:
0xd: {  	p0 =	sne.s32 s9, $0x9FC0  }
.Ltmp0:
0xe: {  	_ = 	snop;
	(pc) =	sbr.rel @p0 .LBB2_2-.Ltmp0, $3  }
0xf: {  	_ =	sdelay $0x1  }
0x10: {  	s10 =	sshra.s32 s9, $0x2  }
0x11: {  	s9 =	sadd.s32 $0x40, s9;
	[tilespmem:s10+$0x2800] =	vst v0  }
0x12: {  	s10 =	simm.s32 $0x0;
	s9 =	simm.s32 $0x40  }
.LBB2_4:
0x13: {  	p0 =	sne.s32 s9, $0x9FC0;
	v2 =	vld [tilespmem:s10+$0x0];
	_ =	sdelay $0x3  }
.Ltmp1:
0x14: {  	(pc) =	sbr.rel @p0 .LBB2_4-.Ltmp1, $2  }
0x15: {  	_ =	sdelay $0x2  }
0x16: {  	s10 =	sshra.s32 s9, $0x2;
	s9 =	sadd.s32 $0x40, s9;
	[tilespmem:v2+s7+$0x0] =	vst.idx.add.f32.msk $0xffff, v1  }
0x17: {  	v2 =	vld [tilespmem:s10+$0x0];
	_ =	sdelay $0x5  }
0x18: {  	s8 =	sadd.s32 $0x1, s8  }
0x19: {  	p0 =	sne.s32 s8, s5  }
.Ltmp2:
0x1a: {  	[tilespmem:v2+s7+$0x0] =	vst.idx.add.f32.msk $0xffff, v1;
	(pc) =	sbr.rel @p0 .LBB2_1-.Ltmp2, $4  }
0x1b: {  	[hbm4b:s4+s2] =	stream.linear.scatter [tilespmem:s7], [sflag:$0x1], $0x2800, $0x38;
	[tilespmem:$0x5000] =	vst v63  }
0x1c: {  	_ =	swait.ge [sflag:s6], $0x2800  }
0x1d: {  	[sflag:s6] =	ssyncset.done $0x0  }
0x1e: {  	[sflag:s6] =	ssyncadd.s32 $0xFFFFD800  }
0x1f: {  	_ =	sfence.sel $0x180000  }
0x20: {  	[bflag:$0x0] =	sbarrier.arrive $0xFFFF  }
0x21: {  	p0 =	sne.s32 s0, $0x0;
	_ =	strace $0x90000047  }
0x22: {  	s0 =	sadd.s32 @!p0 $0x100000, s1;
	[bflag:$0x2] =	sbarrier.arrive $0xFFFF  }
0x23: {  	[sflag:s0] =	ssyncadd.tile.s32 @!p0 $0x1;
	_ =	shalt  }
.Lfunc_end2:
_tile_overlayer_lowered:
.L_overlay_start_2:
0x24: {  	(tag) =	ssettag $0x2  }
0x25: {  	s0 =	rddreg [dreg:$0x0];
	s2 =	stileid.u32  }
0x26: {  	s1 =	rddreg [dreg:$0x1];
	p0 =	sne.s32 s2, $0x0  }
0x27: {  	s3 =	rddreg [dreg:$0x2];
	[bflag:$0x3] =	sbarrier.arrive $0xFFFF;
	s2 =	simm.s32 @!p0 $0x1C01  }
0x28: {  	[timem:s3], [sflag:s2] =	dma.local @!p0 [hbm:s0], s1  }
0x29: {  	s0 =	simm.s32 @!p0 $0x1  }
0x2a: {  	_ =	swait.ge @!p0 [sflag:s0], s1  }
0x2b: {  	s1 =	ssub.s32 @!p0 $0x0, s1;
	[sflag:s0] =	ssyncset.done @!p0 $0x0  }
0x2c: {  	[sflag:s0] =	ssyncadd.s32 @!p0 s1  }
0x2d: {  	[bflag:$0x3] =	sbarrier.arrive $0xFFFF  }
0x2e: {  	_ =	shalt  }

</sc_bundles>
